<compile_context>
chip_gen: v7x
topology: tpu7x:2x2x1
jax: 0.10.2.dev20260603
libtpu: 0.0.44.dev20260713+nightly
codegen_flags: <defaults>
</compile_context>

<pallas_src>
import functools

import jax
import jax.numpy as jnp
from jax import lax
from jax.experimental import pallas as pl
from jax.experimental.pallas import tpu as pltpu
from jax.experimental.pallas import tpu_sc as plsc

NC = 2
NS = 16
NW = NC * NS
CHUNK = 128
PAD = 8


def _sc_aggregate(x_aug, ri, ci):
    n = x_aug.shape[0] - CHUNK
    d = x_aug.shape[1]
    e = ri.shape[0]
    assert e % (CHUNK * NW) == 0
    cpw = (e // CHUNK) // NW
    drows = 1000
    nd = n // drows
    assert n % drows == 0 and nd < NS
    nfull = drows // CHUNK
    tail = drows - nfull * CHUNK
    assert tail % 8 == 0

    mesh = plsc.VectorSubcoreMesh(core_axis_name="c", subcore_axis_name="s")

    @functools.partial(
        pl.kernel,
        out_type=jax.ShapeDtypeStruct((NC, n, d), jnp.float32),
        mesh=mesh,
        scratch_types=[
            pltpu.VMEM((CHUNK,), jnp.int32),
            pltpu.VMEM((CHUNK,), jnp.int32),
            pltpu.VMEM((CHUNK, d), jnp.float32),
            pltpu.VMEM_SHARED((n + PAD, d), jnp.float32),
            pltpu.SemaphoreType.DMA,
        ],
    )
    def kernel(x_hbm, ri_hbm, ci_hbm, agg_hbm, idx_r, idx_c, rows, agg_sh,
               sem1):
        cid = lax.axis_index("c")
        sid = lax.axis_index("s")
        wid = sid * NC + cid

        pltpu.sync_copy(x_hbm.at[pl.ds(n, CHUNK)], rows)

        @pl.when(sid < nd)
        def _():
            dbase = sid * drows

            @pl.loop(0, nfull)
            def _(j):
                pltpu.sync_copy(rows,
                                agg_sh.at[pl.ds(dbase + j * CHUNK, CHUNK)])
            o = dbase + nfull * CHUNK
            pltpu.sync_copy(rows.at[pl.ds(0, tail)], agg_sh.at[pl.ds(o, tail)])

        @pl.when(sid == nd)
        def _():
            pltpu.sync_copy(rows.at[pl.ds(0, PAD)], agg_sh.at[pl.ds(n, PAD)])
        plsc.subcore_barrier()

        @pl.loop(0, cpw)
        def _(i):
            off = (wid * cpw + i) * CHUNK
            pltpu.sync_copy(ri_hbm.at[pl.ds(off, CHUNK)], idx_r)
            pltpu.sync_copy(ci_hbm.at[pl.ds(off, CHUNK)], idx_c)
            pltpu.async_copy(x_hbm.at[idx_c], rows, sem1).wait()
            pltpu.async_copy(rows, agg_sh.at[idx_r], sem1, add=True).wait()

        plsc.subcore_barrier()

        @pl.when(sid < nd)
        def _():
            dbase = sid * drows

            @pl.loop(0, nfull)
            def _(j):
                o = dbase + j * CHUNK
                pltpu.sync_copy(agg_sh.at[pl.ds(o, CHUNK)], rows)
                pltpu.sync_copy(rows, agg_hbm.at[cid, pl.ds(o, CHUNK)])
            o = dbase + nfull * CHUNK
            pltpu.sync_copy(agg_sh.at[pl.ds(o, tail)], rows.at[pl.ds(0, tail)])
            pltpu.sync_copy(rows.at[pl.ds(0, tail)],
                            agg_hbm.at[cid, pl.ds(o, tail)])

    return kernel(x_aug, ri, ci)


def _tc_body(x_ref, a_ref, c_ref, wx_ref, wa_ref, b_ref, o_ref):
    xb = x_ref[...]
    agg = a_ref[0] + a_ref[1]
    agg = agg * c_ref[...]
    z = jnp.dot(xb, wx_ref[...], preferred_element_type=jnp.float32)
    z = z + jnp.dot(agg, wa_ref[...], preferred_element_type=jnp.float32)
    z = z + b_ref[...]
    f = jnp.maximum(z, 0.0)
    s = jnp.sum(f * f, axis=1, keepdims=True)
    norm1 = jnp.sqrt(jnp.maximum(s - 1.0, 1e-8))
    g = f / norm1
    zero_mask = jnp.all(g == 0.0, axis=1, keepdims=True)
    g = jnp.where(zero_mask, 1.0, g)
    norm2 = jnp.sqrt(jnp.sum(g * g, axis=1, keepdims=True))
    o_ref[...] = g / jnp.maximum(norm2, 1e-8)


def _tc_finish(x, agg_parts, inv_cnt, wx_t, wa_t, b2):
    n, d = x.shape
    blk = 2000
    assert n % blk == 0
    grid = (n // blk,)
    return pl.pallas_call(
        _tc_body,
        grid=grid,
        in_specs=[
            pl.BlockSpec((blk, d), lambda i: (i, 0)),
            pl.BlockSpec((NC, blk, d), lambda i: (0, i, 0)),
            pl.BlockSpec((blk, d), lambda i: (i, 0)),
            pl.BlockSpec((d, d), lambda i: (0, 0)),
            pl.BlockSpec((d, d), lambda i: (0, 0)),
            pl.BlockSpec((1, d), lambda i: (0, 0)),
        ],
        out_specs=pl.BlockSpec((blk, d), lambda i: (i, 0)),
        out_shape=jax.ShapeDtypeStruct((n, d), jnp.float32),
    )(x, agg_parts, inv_cnt, wx_t, wa_t, b2)


@jax.jit
def kernel(x, edge_index, W, b):
    n, d = x.shape
    e = edge_index.shape[1]
    e_pad = ((e + CHUNK * NW - 1) // (CHUNK * NW)) * (CHUNK * NW)
    npad = e_pad - e
    spread = jnp.arange(npad, dtype=jnp.int32) % PAD
    ri = jnp.concatenate([edge_index[0], n + spread])
    ci = jnp.concatenate([edge_index[1], n + spread])
    x_aug = jnp.concatenate([x, jnp.zeros((CHUNK, d), jnp.float32)], axis=0)
    agg_parts = _sc_aggregate(x_aug, ri, ci)
    cnt = jnp.zeros((n,), jnp.float32).at[edge_index[0]].add(1.0)
    inv_cnt = jnp.broadcast_to((1.0 / jnp.maximum(cnt, 1.0))[:, None], (n, d))
    wx_t = W[:, :d].T
    wa_t = W[:, d:].T
    out = _tc_finish(x, agg_parts, inv_cnt, wx_t, wa_t, b[None, :])
    ones_n = jnp.ones((n, 1), dtype=out.dtype)
    return jnp.concatenate([out, ones_n], axis=1)

# --- scband reference (transcript-rebuilt; emitter-appended) ---
"""Pipeline reference for scband-uhgsageconv-7095285973659 (READ-ONLY COPY).

The authoritative reference and input builder live on the scoring server;
editing this copy changes nothing except your own understanding.
"""

import jax, jax.numpy as jnp
import numpy as np

N = 10000
E = 320000
D = 128
OUT = 128


def setup_inputs(seed: int = 0) -> dict:
    key = jax.random.key(seed)
    k1, k2, k3 = jax.random.split(key, 3)
    x = jax.random.normal(k1, (N, D), dtype=jnp.float32)
    edge_index = jax.random.randint(k2, (2, E), 0, N, dtype=jnp.int32)
    # Linear(in_channels*2, out_channels): weight [OUT, 2*D], bias [OUT]
    W = jax.random.normal(k3, (OUT, 2 * D), dtype=jnp.float32) * 0.05
    b = jnp.zeros((OUT,), dtype=jnp.float32)
    return {"x": x, "edge_index": edge_index, "W": W, "b": b}


def _normalize_points(points):
    features = points[..., :-1]
    homogeneous = points[..., -1:]
    zero_mask = jnp.all(features == 0, axis=-1, keepdims=True)
    features = jnp.where(zero_mask, jnp.ones_like(features), features)
    norm = jnp.linalg.norm(features, axis=-1, keepdims=True)
    normalized_features = features / jnp.clip(norm, 1e-08, None)
    normalized = jnp.concatenate([normalized_features, homogeneous], axis=-1)
    sign = jnp.sign(normalized[..., -1:])
    sign = jnp.where(sign == 0, jnp.ones_like(sign), sign)
    return normalized * sign


def _uhg_normalize(x):
    features = x[..., :-1]
    homogeneous = x[..., -1:]
    uhg_n = jnp.sum(features ** 2, axis=-1) - x[..., -1] ** 2
    norm = jnp.sqrt(jnp.clip(uhg_n, 1e-08, None))
    features = features / norm[..., None]
    homogeneous = jnp.sign(homogeneous) * jnp.ones_like(homogeneous)
    return jnp.concatenate([features, homogeneous], axis=-1)


def reference(x, edge_index, W, b):
    n = x.shape[0]
    row = edge_index[0]
    col = edge_index[1]
    # aggregate_neighbors: scatter-add gathered neighbor features, mean by in-degree
    agg = jnp.zeros_like(x).at[row].add(x[col])
    ones_e = jnp.ones((col.shape[0],), dtype=x.dtype)
    count = jnp.zeros((n,), dtype=x.dtype).at[row].add(ones_e)
    count = jnp.clip(count, 1.0, None)[:, None]
    agg = agg / count
    out = jnp.concatenate([x, agg], axis=1)
    out = out @ W.T + b
    out = jax.nn.relu(out)
    # append_uhg branch
    ones_n = jnp.ones((out.shape[0], 1), dtype=out.dtype)
    out = jnp.concatenate([out, ones_n], axis=1)
    out = _uhg_normalize(out)
    out = _normalize_points(out)
    return out

if __name__ == "__main__":
    import jax
    _d = setup_inputs()
    print(jax.jit(kernel)(*tuple(_d.values())))

</pallas_src>

<mosaic_0001>
#map = affine_map<(d0, d1) -> (0, 0)>
#map1 = affine_map<(d0, d1) -> (0)>
#map2 = affine_map<(d0, d1) -> (0, 0, 0)>
module attributes {stable_mosaic.version = 14 : i64} {
  func.func @kernel(%arg0: i32, %arg1: i32, %arg2: memref<10128x128xf32, #tpu.memory_space<hbm>>, %arg3: memref<323584xi32, #tpu.memory_space<hbm>>, %arg4: memref<323584xi32, #tpu.memory_space<hbm>>, %arg5: memref<2x10000x128xf32, #tpu.memory_space<hbm>>, %arg6: memref<128xi32, #tpu.memory_space<vmem>>, %arg7: memref<128xi32, #tpu.memory_space<vmem>>, %arg8: memref<128x128xf32, #tpu.memory_space<vmem>>, %arg9: memref<10008x128xf32, #tpu.memory_space<vmem_shared>>, %arg10: memref<!tpu.dma_semaphore, #tpu.memory_space<semaphore_mem>>) attributes {dimension_semantics = [#tpu.dimension_semantics<core_parallel>, #tpu.dimension_semantics<subcore_parallel>], iteration_bounds = array<i64: 2, 16>, scalar_prefetch = 0 : i64, scratch_operands = 5 : i64, tpu.core_type = #tpu.core_type<sc_vector_subcore>, window_params = [{transform_indices = #map}, {transform_indices = #map1}, {transform_indices = #map1}, {transform_indices = #map2}]} {
    %mul3A = arith.constant 2 : i32
    %mul3A_0 = arith.muli %arg1, %mul3A : i32
    %add3A = arith.addi %mul3A_0, %arg0 : i32
    "tpu.region"() ({
      %run_scoped3A = tpu.sem_alloc : memref<!tpu.dma_semaphore, #tpu.memory_space<semaphore_mem>>
      %dma_start3A = arith.constant 10000 : i32
      %dma_start3A_17 = arith.constant 0 : i32
      %dma_start3A_18 = tpu.memref_slice %arg2[%dma_start3A, %dma_start3A_17] : memref<10128x128xf32, #tpu.memory_space<hbm>> -> memref<128x128xf32, #tpu.memory_space<hbm>>
      %dma_start3A_19 = arith.constant 10000 : i32
      %dma_start3A_20 = arith.constant 0 : i32
      %dma_start3A_21 = tpu.memref_slice %arg2[%dma_start3A_19, %dma_start3A_20] : memref<10128x128xf32, #tpu.memory_space<hbm>> -> memref<128x128xf32, #tpu.memory_space<hbm>>
      tpu.enqueue_dma source(%dma_start3A_21 : memref<128x128xf32, #tpu.memory_space<hbm>>) target(%arg8 : memref<128x128xf32, #tpu.memory_space<vmem>>) target_semaphore(%run_scoped3A : memref<!tpu.dma_semaphore, #tpu.memory_space<semaphore_mem>>)
      %dma_wait3A = arith.constant 10000 : i32
      %dma_wait3A_22 = arith.constant 0 : i32
      %dma_wait3A_23 = tpu.memref_slice %arg2[%dma_wait3A, %dma_wait3A_22] : memref<10128x128xf32, #tpu.memory_space<hbm>> -> memref<128x128xf32, #tpu.memory_space<hbm>>
      %dma_wait3A_24 = arith.constant 10000 : i32
      %dma_wait3A_25 = arith.constant 0 : i32
      %dma_wait3A_26 = tpu.memref_slice %arg2[%dma_wait3A_24, %dma_wait3A_25] : memref<10128x128xf32, #tpu.memory_space<hbm>> -> memref<128x128xf32, #tpu.memory_space<hbm>>
      tpu.wait_dma2 semaphore(%run_scoped3A : memref<!tpu.dma_semaphore, #tpu.memory_space<semaphore_mem>>) src(%dma_wait3A_26 : memref<128x128xf32, #tpu.memory_space<hbm>>) dst(%arg8 : memref<128x128xf32, #tpu.memory_space<vmem>>)
      tpu.yield
    }) : () -> ()
    %lt3A = arith.constant 10 : i32
    %lt3A_1 = arith.cmpi slt, %arg1, %lt3A : i32
    %convert_element_type3A = arith.extui %lt3A_1 : i1 to i32
    %cond3A = arith.constant 0 : i32
    %cond3A_2 = arith.cmpi ne, %convert_element_type3A, %cond3A : i32
    scf.if %cond3A_2 {
      %mul3A_17 = arith.constant 1000 : i32
      %mul3A_18 = arith.muli %arg1, %mul3A_17 : i32
      %scan3A_19 = arith.constant 0 : i32
      %scan3A_20 = arith.constant 7 : i32
      %scan3A_21 = arith.addi %scan3A_19, %scan3A_20 : i32
      %scan3A_22 = arith.constant 1 : i32
      scf.for %scan3A_26 = %scan3A_19 to %scan3A_21 step %scan3A_22  : i32 {
        %mul3A_27 = arith.constant 1 : i32
        %mul3A_28 = arith.muli %scan3A_26, %mul3A_27 : i32
        %add3A_29 = arith.constant 0 : i32
        %add3A_30 = arith.addi %add3A_29, %mul3A_28 : i32
        %mul3A_31 = arith.constant 128 : i32
        %mul3A_32 = arith.muli %add3A_30, %mul3A_31 : i32
        %add3A_33 = arith.addi %mul3A_18, %mul3A_32 : i32
        "tpu.region"() ({
          %run_scoped3A = tpu.sem_alloc : memref<!tpu.dma_semaphore, #tpu.memory_space<semaphore_mem>>
          %dma_start3A = arith.constant 0 : i32
          %dma_start3A_34 = tpu.memref_slice %arg9[%add3A_33, %dma_start3A] : memref<10008x128xf32, #tpu.memory_space<vmem_shared>> -> memref<128x128xf32, #tpu.memory_space<vmem_shared>>
          %dma_start3A_35 = arith.constant 0 : i32
          %dma_start3A_36 = tpu.memref_slice %arg9[%add3A_33, %dma_start3A_35] : memref<10008x128xf32, #tpu.memory_space<vmem_shared>> -> memref<128x128xf32, #tpu.memory_space<vmem_shared>>
          tpu.enqueue_dma source(%arg8 : memref<128x128xf32, #tpu.memory_space<vmem>>) target(%dma_start3A_36 : memref<128x128xf32, #tpu.memory_space<vmem_shared>>) target_semaphore(%run_scoped3A : memref<!tpu.dma_semaphore, #tpu.memory_space<semaphore_mem>>)
          %dma_wait3A = arith.constant 0 : i32
          %dma_wait3A_37 = tpu.memref_slice %arg9[%add3A_33, %dma_wait3A] : memref<10008x128xf32, #tpu.memory_space<vmem_shared>> -> memref<128x128xf32, #tpu.memory_space<vmem_shared>>
          %dma_wait3A_38 = arith.constant 0 : i32
          %dma_wait3A_39 = tpu.memref_slice %arg9[%add3A_33, %dma_wait3A_38] : memref<10008x128xf32, #tpu.memory_space<vmem_shared>> -> memref<128x128xf32, #tpu.memory_space<vmem_shared>>
          tpu.wait_dma2 semaphore(%run_scoped3A : memref<!tpu.dma_semaphore, #tpu.memory_space<semaphore_mem>>) src(%arg8 : memref<128x128xf32, #tpu.memory_space<vmem>>) dst(%dma_wait3A_39 : memref<128x128xf32, #tpu.memory_space<vmem_shared>>)
          tpu.yield
        }) : () -> ()
      }
      %scan3A_23 = arith.constant 7 : i32
      %add3A_24 = arith.constant 896 : i32
      %add3A_25 = arith.addi %mul3A_18, %add3A_24 : i32
      "tpu.region"() ({
        %run_scoped3A = tpu.sem_alloc : memref<!tpu.dma_semaphore, #tpu.memory_space<semaphore_mem>>
        %dma_start3A = arith.constant 0 : i32
        %dma_start3A_26 = arith.constant 0 : i32
        %dma_start3A_27 = tpu.memref_slice %arg8[%dma_start3A, %dma_start3A_26] : memref<128x128xf32, #tpu.memory_space<vmem>> -> memref<104x128xf32, #tpu.memory_space<vmem>>
        %dma_start3A_28 = arith.constant 0 : i32
        %dma_start3A_29 = tpu.memref_slice %arg9[%add3A_25, %dma_start3A_28] : memref<10008x128xf32, #tpu.memory_space<vmem_shared>> -> memref<104x128xf32, #tpu.memory_space<vmem_shared>>
        %dma_start3A_30 = arith.constant 0 : i32
        %dma_start3A_31 = tpu.memref_slice %arg9[%add3A_25, %dma_start3A_30] : memref<10008x128xf32, #tpu.memory_space<vmem_shared>> -> memref<104x128xf32, #tpu.memory_space<vmem_shared>>
        %dma_start3A_32 = arith.constant 0 : i32
        %dma_start3A_33 = arith.constant 0 : i32
        %dma_start3A_34 = tpu.memref_slice %arg8[%dma_start3A_32, %dma_start3A_33] : memref<128x128xf32, #tpu.memory_space<vmem>> -> memref<104x128xf32, #tpu.memory_space<vmem>>
        tpu.enqueue_dma source(%dma_start3A_34 : memref<104x128xf32, #tpu.memory_space<vmem>>) target(%dma_start3A_31 : memref<104x128xf32, #tpu.memory_space<vmem_shared>>) target_semaphore(%run_scoped3A : memref<!tpu.dma_semaphore, #tpu.memory_space<semaphore_mem>>)
        %dma_wait3A = arith.constant 0 : i32
        %dma_wait3A_35 = arith.constant 0 : i32
        %dma_wait3A_36 = tpu.memref_slice %arg8[%dma_wait3A, %dma_wait3A_35] : memref<128x128xf32, #tpu.memory_space<vmem>> -> memref<104x128xf32, #tpu.memory_space<vmem>>
        %dma_wait3A_37 = arith.constant 0 : i32
        %dma_wait3A_38 = tpu.memref_slice %arg9[%add3A_25, %dma_wait3A_37] : memref<10008x128xf32, #tpu.memory_space<vmem_shared>> -> memref<104x128xf32, #tpu.memory_space<vmem_shared>>
        %dma_wait3A_39 = arith.constant 0 : i32
        %dma_wait3A_40 = tpu.memref_slice %arg9[%add3A_25, %dma_wait3A_39] : memref<10008x128xf32, #tpu.memory_space<vmem_shared>> -> memref<104x128xf32, #tpu.memory_space<vmem_shared>>
        %dma_wait3A_41 = arith.constant 0 : i32
        %dma_wait3A_42 = arith.constant 0 : i32
        %dma_wait3A_43 = tpu.memref_slice %arg8[%dma_wait3A_41, %dma_wait3A_42] : memref<128x128xf32, #tpu.memory_space<vmem>> -> memref<104x128xf32, #tpu.memory_space<vmem>>
        tpu.wait_dma2 semaphore(%run_scoped3A : memref<!tpu.dma_semaphore, #tpu.memory_space<semaphore_mem>>) src(%dma_wait3A_43 : memref<104x128xf32, #tpu.memory_space<vmem>>) dst(%dma_wait3A_40 : memref<104x128xf32, #tpu.memory_space<vmem_shared>>)
        tpu.yield
      }) : () -> ()
    } else {
    }
    %eq3A = arith.constant 10 : i32
    %eq3A_3 = arith.cmpi eq, %arg1, %eq3A : i32
    %convert_element_type3A_4 = arith.extui %eq3A_3 : i1 to i32
    %cond3A_5 = arith.constant 0 : i32
    %cond3A_6 = arith.cmpi ne, %convert_element_type3A_4, %cond3A_5 : i32
    scf.if %cond3A_6 {
      "tpu.region"() ({
        %run_scoped3A = tpu.sem_alloc : memref<!tpu.dma_semaphore, #tpu.memory_space<semaphore_mem>>
        %dma_start3A = arith.constant 0 : i32
        %dma_start3A_17 = arith.constant 0 : i32
        %dma_start3A_18 = tpu.memref_slice %arg8[%dma_start3A, %dma_start3A_17] : memref<128x128xf32, #tpu.memory_space<vmem>> -> memref<8x128xf32, #tpu.memory_space<vmem>>
        %dma_start3A_19 = arith.constant 10000 : i32
        %dma_start3A_20 = arith.constant 0 : i32
        %dma_start3A_21 = tpu.memref_slice %arg9[%dma_start3A_19, %dma_start3A_20] : memref<10008x128xf32, #tpu.memory_space<vmem_shared>> -> memref<8x128xf32, #tpu.memory_space<vmem_shared>>
        %dma_start3A_22 = arith.constant 10000 : i32
        %dma_start3A_23 = arith.constant 0 : i32
        %dma_start3A_24 = tpu.memref_slice %arg9[%dma_start3A_22, %dma_start3A_23] : memref<10008x128xf32, #tpu.memory_space<vmem_shared>> -> memref<8x128xf32, #tpu.memory_space<vmem_shared>>
        %dma_start3A_25 = arith.constant 0 : i32
        %dma_start3A_26 = arith.constant 0 : i32
        %dma_start3A_27 = tpu.memref_slice %arg8[%dma_start3A_25, %dma_start3A_26] : memref<128x128xf32, #tpu.memory_space<vmem>> -> memref<8x128xf32, #tpu.memory_space<vmem>>
        tpu.enqueue_dma source(%dma_start3A_27 : memref<8x128xf32, #tpu.memory_space<vmem>>) target(%dma_start3A_24 : memref<8x128xf32, #tpu.memory_space<vmem_shared>>) target_semaphore(%run_scoped3A : memref<!tpu.dma_semaphore, #tpu.memory_space<semaphore_mem>>)
        %dma_wait3A = arith.constant 0 : i32
        %dma_wait3A_28 = arith.constant 0 : i32
        %dma_wait3A_29 = tpu.memref_slice %arg8[%dma_wait3A, %dma_wait3A_28] : memref<128x128xf32, #tpu.memory_space<vmem>> -> memref<8x128xf32, #tpu.memory_space<vmem>>
        %dma_wait3A_30 = arith.constant 10000 : i32
        %dma_wait3A_31 = arith.constant 0 : i32
        %dma_wait3A_32 = tpu.memref_slice %arg9[%dma_wait3A_30, %dma_wait3A_31] : memref<10008x128xf32, #tpu.memory_space<vmem_shared>> -> memref<8x128xf32, #tpu.memory_space<vmem_shared>>
        %dma_wait3A_33 = arith.constant 10000 : i32
        %dma_wait3A_34 = arith.constant 0 : i32
        %dma_wait3A_35 = tpu.memref_slice %arg9[%dma_wait3A_33, %dma_wait3A_34] : memref<10008x128xf32, #tpu.memory_space<vmem_shared>> -> memref<8x128xf32, #tpu.memory_space<vmem_shared>>
        %dma_wait3A_36 = arith.constant 0 : i32
        %dma_wait3A_37 = arith.constant 0 : i32
        %dma_wait3A_38 = tpu.memref_slice %arg8[%dma_wait3A_36, %dma_wait3A_37] : memref<128x128xf32, #tpu.memory_space<vmem>> -> memref<8x128xf32, #tpu.memory_space<vmem>>
        tpu.wait_dma2 semaphore(%run_scoped3A : memref<!tpu.dma_semaphore, #tpu.memory_space<semaphore_mem>>) src(%dma_wait3A_38 : memref<8x128xf32, #tpu.memory_space<vmem>>) dst(%dma_wait3A_35 : memref<8x128xf32, #tpu.memory_space<vmem_shared>>)
        tpu.yield
      }) : () -> ()
    } else {
    }
    %barrier3A = arith.constant 0 : index
    tpu.barrier barrier_id(%barrier3A)
    %scan3A = arith.constant 0 : i32
    %scan3A_7 = arith.constant 79 : i32
    %scan3A_8 = arith.addi %scan3A, %scan3A_7 : i32
    %scan3A_9 = arith.constant 1 : i32
    scf.for %scan3A_17 = %scan3A to %scan3A_8 step %scan3A_9  : i32 {
      %mul3A_18 = arith.constant 1 : i32
      %mul3A_19 = arith.muli %scan3A_17, %mul3A_18 : i32
      %add3A_20 = arith.constant 0 : i32
      %add3A_21 = arith.addi %add3A_20, %mul3A_19 : i32
      %mul3A_22 = arith.constant 79 : i32
      %mul3A_23 = arith.muli %add3A, %mul3A_22 : i32
      %add3A_24 = arith.addi %mul3A_23, %add3A_21 : i32
      %mul3A_25 = arith.constant 128 : i32
      %mul3A_26 = arith.muli %add3A_24, %mul3A_25 : i32
      "tpu.region"() ({
        %run_scoped3A = tpu.sem_alloc : memref<!tpu.dma_semaphore, #tpu.memory_space<semaphore_mem>>
        %dma_start3A_37 = tpu.memref_slice %arg3[%mul3A_26] : memref<323584xi32, #tpu.memory_space<hbm>> -> memref<128xi32, #tpu.memory_space<hbm>>
        %dma_start3A_38 = tpu.memref_slice %arg3[%mul3A_26] : memref<323584xi32, #tpu.memory_space<hbm>> -> memref<128xi32, #tpu.memory_space<hbm>>
        tpu.enqueue_dma source(%dma_start3A_38 : memref<128xi32, #tpu.memory_space<hbm>>) target(%arg6 : memref<128xi32, #tpu.memory_space<vmem>>) target_semaphore(%run_scoped3A : memref<!tpu.dma_semaphore, #tpu.memory_space<semaphore_mem>>)
        %dma_wait3A_39 = tpu.memref_slice %arg3[%mul3A_26] : memref<323584xi32, #tpu.memory_space<hbm>> -> memref<128xi32, #tpu.memory_space<hbm>>
        %dma_wait3A_40 = tpu.memref_slice %arg3[%mul3A_26] : memref<323584xi32, #tpu.memory_space<hbm>> -> memref<128xi32, #tpu.memory_space<hbm>>
        tpu.wait_dma2 semaphore(%run_scoped3A : memref<!tpu.dma_semaphore, #tpu.memory_space<semaphore_mem>>) src(%dma_wait3A_40 : memref<128xi32, #tpu.memory_space<hbm>>) dst(%arg6 : memref<128xi32, #tpu.memory_space<vmem>>)
        tpu.yield
      }) : () -> ()
      "tpu.region"() ({
        %run_scoped3A = tpu.sem_alloc : memref<!tpu.dma_semaphore, #tpu.memory_space<semaphore_mem>>
        %dma_start3A_37 = tpu.memref_slice %arg4[%mul3A_26] : memref<323584xi32, #tpu.memory_space<hbm>> -> memref<128xi32, #tpu.memory_space<hbm>>
        %dma_start3A_38 = tpu.memref_slice %arg4[%mul3A_26] : memref<323584xi32, #tpu.memory_space<hbm>> -> memref<128xi32, #tpu.memory_space<hbm>>
        tpu.enqueue_dma source(%dma_start3A_38 : memref<128xi32, #tpu.memory_space<hbm>>) target(%arg7 : memref<128xi32, #tpu.memory_space<vmem>>) target_semaphore(%run_scoped3A : memref<!tpu.dma_semaphore, #tpu.memory_space<semaphore_mem>>)
        %dma_wait3A_39 = tpu.memref_slice %arg4[%mul3A_26] : memref<323584xi32, #tpu.memory_space<hbm>> -> memref<128xi32, #tpu.memory_space<hbm>>
        %dma_wait3A_40 = tpu.memref_slice %arg4[%mul3A_26] : memref<323584xi32, #tpu.memory_space<hbm>> -> memref<128xi32, #tpu.memory_space<hbm>>
        tpu.wait_dma2 semaphore(%run_scoped3A : memref<!tpu.dma_semaphore, #tpu.memory_space<semaphore_mem>>) src(%dma_wait3A_40 : memref<128xi32, #tpu.memory_space<hbm>>) dst(%arg7 : memref<128xi32, #tpu.memory_space<vmem>>)
        tpu.yield
      }) : () -> ()
      %dma_start3A = arith.constant 0 : i32
      %dma_start3A_27 = arith.constant 0 : i32
      %dma_start3A_28 = tpu.memref_slice %arg2[%dma_start3A, %dma_start3A_27] : memref<10128x128xf32, #tpu.memory_space<hbm>> -> memref<10128x128xf32, #tpu.memory_space<hbm>>
      tpu.enqueue_indirect_dma source(%dma_start3A_28 : memref<10128x128xf32, #tpu.memory_space<hbm>>) target(%arg8 : memref<128x128xf32, #tpu.memory_space<vmem>>) offsets(%arg7 : memref<128xi32, #tpu.memory_space<vmem>>) semaphore(%arg10 : memref<!tpu.dma_semaphore, #tpu.memory_space<semaphore_mem>>)
      %dma_wait3A = arith.constant 0 : i32
      %dma_wait3A_29 = arith.constant 0 : i32
      %dma_wait3A_30 = tpu.memref_slice %arg2[%dma_wait3A, %dma_wait3A_29] : memref<10128x128xf32, #tpu.memory_space<hbm>> -> memref<10128x128xf32, #tpu.memory_space<hbm>>
      tpu.wait_indirect_dma semaphore(%arg10 : memref<!tpu.dma_semaphore, #tpu.memory_space<semaphore_mem>>) src(%dma_wait3A_30 : memref<10128x128xf32, #tpu.memory_space<hbm>>) dst(%arg8 : memref<128x128xf32, #tpu.memory_space<vmem>>)
      %dma_start3A_31 = arith.constant 0 : i32
      %dma_start3A_32 = arith.constant 0 : i32
      %dma_start3A_33 = tpu.memref_slice %arg9[%dma_start3A_31, %dma_start3A_32] : memref<10008x128xf32, #tpu.memory_space<vmem_shared>> -> memref<10008x128xf32, #tpu.memory_space<vmem_shared>>
      tpu.enqueue_indirect_dma source(%arg8 : memref<128x128xf32, #tpu.memory_space<vmem>>) target(%dma_start3A_33 : memref<10008x128xf32, #tpu.memory_space<vmem_shared>>) offsets(%arg6 : memref<128xi32, #tpu.memory_space<vmem>>) semaphore(%arg10 : memref<!tpu.dma_semaphore, #tpu.memory_space<semaphore_mem>>) {add = true}
      %dma_wait3A_34 = arith.constant 0 : i32
      %dma_wait3A_35 = arith.constant 0 : i32
      %dma_wait3A_36 = tpu.memref_slice %arg9[%dma_wait3A_34, %dma_wait3A_35] : memref<10008x128xf32, #tpu.memory_space<vmem_shared>> -> memref<10008x128xf32, #tpu.memory_space<vmem_shared>>
      tpu.wait_indirect_dma semaphore(%arg10 : memref<!tpu.dma_semaphore, #tpu.memory_space<semaphore_mem>>) src(%arg8 : memref<128x128xf32, #tpu.memory_space<vmem>>) dst(%dma_wait3A_36 : memref<10008x128xf32, #tpu.memory_space<vmem_shared>>)
    }
    %scan3A_10 = arith.constant 79 : i32
    %barrier3A_11 = arith.constant 0 : index
    tpu.barrier barrier_id(%barrier3A_11)
    %lt3A_12 = arith.constant 10 : i32
    %lt3A_13 = arith.cmpi slt, %arg1, %lt3A_12 : i32
    %convert_element_type3A_14 = arith.extui %lt3A_13 : i1 to i32
    %cond3A_15 = arith.constant 0 : i32
    %cond3A_16 = arith.cmpi ne, %convert_element_type3A_14, %cond3A_15 : i32
    scf.if %cond3A_16 {
      %mul3A_17 = arith.constant 1000 : i32
      %mul3A_18 = arith.muli %arg1, %mul3A_17 : i32
      %scan3A_19 = arith.constant 0 : i32
      %scan3A_20 = arith.constant 7 : i32
      %scan3A_21 = arith.addi %scan3A_19, %scan3A_20 : i32
      %scan3A_22 = arith.constant 1 : i32
      scf.for %scan3A_26 = %scan3A_19 to %scan3A_21 step %scan3A_22  : i32 {
        %mul3A_27 = arith.constant 1 : i32
        %mul3A_28 = arith.muli %scan3A_26, %mul3A_27 : i32
        %add3A_29 = arith.constant 0 : i32
        %add3A_30 = arith.addi %add3A_29, %mul3A_28 : i32
        %mul3A_31 = arith.constant 128 : i32
        %mul3A_32 = arith.muli %add3A_30, %mul3A_31 : i32
        %add3A_33 = arith.addi %mul3A_18, %mul3A_32 : i32
        "tpu.region"() ({
          %run_scoped3A = tpu.sem_alloc : memref<!tpu.dma_semaphore, #tpu.memory_space<semaphore_mem>>
          %dma_start3A = arith.constant 0 : i32
          %dma_start3A_34 = tpu.memref_slice %arg9[%add3A_33, %dma_start3A] : memref<10008x128xf32, #tpu.memory_space<vmem_shared>> -> memref<128x128xf32, #tpu.memory_space<vmem_shared>>
          %dma_start3A_35 = arith.constant 0 : i32
          %dma_start3A_36 = tpu.memref_slice %arg9[%add3A_33, %dma_start3A_35] : memref<10008x128xf32, #tpu.memory_space<vmem_shared>> -> memref<128x128xf32, #tpu.memory_space<vmem_shared>>
          tpu.enqueue_dma source(%dma_start3A_36 : memref<128x128xf32, #tpu.memory_space<vmem_shared>>) target(%arg8 : memref<128x128xf32, #tpu.memory_space<vmem>>) target_semaphore(%run_scoped3A : memref<!tpu.dma_semaphore, #tpu.memory_space<semaphore_mem>>)
          %dma_wait3A = arith.constant 0 : i32
          %dma_wait3A_37 = tpu.memref_slice %arg9[%add3A_33, %dma_wait3A] : memref<10008x128xf32, #tpu.memory_space<vmem_shared>> -> memref<128x128xf32, #tpu.memory_space<vmem_shared>>
          %dma_wait3A_38 = arith.constant 0 : i32
          %dma_wait3A_39 = tpu.memref_slice %arg9[%add3A_33, %dma_wait3A_38] : memref<10008x128xf32, #tpu.memory_space<vmem_shared>> -> memref<128x128xf32, #tpu.memory_space<vmem_shared>>
          tpu.wait_dma2 semaphore(%run_scoped3A : memref<!tpu.dma_semaphore, #tpu.memory_space<semaphore_mem>>) src(%dma_wait3A_39 : memref<128x128xf32, #tpu.memory_space<vmem_shared>>) dst(%arg8 : memref<128x128xf32, #tpu.memory_space<vmem>>)
          tpu.yield
        }) : () -> ()
        "tpu.region"() ({
          %run_scoped3A = tpu.sem_alloc : memref<!tpu.dma_semaphore, #tpu.memory_space<semaphore_mem>>
          %dma_start3A = arith.constant 0 : i32
          %dma_start3A_34 = tpu.memref_slice %arg5[%arg0, %add3A_33, %dma_start3A] : memref<2x10000x128xf32, #tpu.memory_space<hbm>> -> memref<1x128x128xf32, #tpu.memory_space<hbm>>
          %dma_start3A_35 = tpu.memref_squeeze %dma_start3A_34 : memref<1x128x128xf32, #tpu.memory_space<hbm>> -> memref<128x128xf32, #tpu.memory_space<hbm>>
          %dma_start3A_36 = arith.constant 0 : i32
          %dma_start3A_37 = tpu.memref_slice %arg5[%arg0, %add3A_33, %dma_start3A_36] : memref<2x10000x128xf32, #tpu.memory_space<hbm>> -> memref<1x128x128xf32, #tpu.memory_space<hbm>>
          %dma_start3A_38 = tpu.memref_squeeze %dma_start3A_37 : memref<1x128x128xf32, #tpu.memory_space<hbm>> -> memref<128x128xf32, #tpu.memory_space<hbm>>
          tpu.enqueue_dma source(%arg8 : memref<128x128xf32, #tpu.memory_space<vmem>>) target(%dma_start3A_38 : memref<128x128xf32, #tpu.memory_space<hbm>>) target_semaphore(%run_scoped3A : memref<!tpu.dma_semaphore, #tpu.memory_space<semaphore_mem>>)
          %dma_wait3A = arith.constant 0 : i32
          %dma_wait3A_39 = tpu.memref_slice %arg5[%arg0, %add3A_33, %dma_wait3A] : memref<2x10000x128xf32, #tpu.memory_space<hbm>> -> memref<1x128x128xf32, #tpu.memory_space<hbm>>
          %dma_wait3A_40 = tpu.memref_squeeze %dma_wait3A_39 : memref<1x128x128xf32, #tpu.memory_space<hbm>> -> memref<128x128xf32, #tpu.memory_space<hbm>>
          %dma_wait3A_41 = arith.constant 0 : i32
          %dma_wait3A_42 = tpu.memref_slice %arg5[%arg0, %add3A_33, %dma_wait3A_41] : memref<2x10000x128xf32, #tpu.memory_space<hbm>> -> memref<1x128x128xf32, #tpu.memory_space<hbm>>
          %dma_wait3A_43 = tpu.memref_squeeze %dma_wait3A_42 : memref<1x128x128xf32, #tpu.memory_space<hbm>> -> memref<128x128xf32, #tpu.memory_space<hbm>>
          tpu.wait_dma2 semaphore(%run_scoped3A : memref<!tpu.dma_semaphore, #tpu.memory_space<semaphore_mem>>) src(%arg8 : memref<128x128xf32, #tpu.memory_space<vmem>>) dst(%dma_wait3A_43 : memref<128x128xf32, #tpu.memory_space<hbm>>)
          tpu.yield
        }) : () -> ()
      }
      %scan3A_23 = arith.constant 7 : i32
      %add3A_24 = arith.constant 896 : i32
      %add3A_25 = arith.addi %mul3A_18, %add3A_24 : i32
      "tpu.region"() ({
        %run_scoped3A = tpu.sem_alloc : memref<!tpu.dma_semaphore, #tpu.memory_space<semaphore_mem>>
        %dma_start3A = arith.constant 0 : i32
        %dma_start3A_26 = arith.constant 0 : i32
        %dma_start3A_27 = tpu.memref_slice %arg8[%dma_start3A, %dma_start3A_26] : memref<128x128xf32, #tpu.memory_space<vmem>> -> memref<104x128xf32, #tpu.memory_space<vmem>>
        %dma_start3A_28 = arith.constant 0 : i32
        %dma_start3A_29 = tpu.memref_slice %arg9[%add3A_25, %dma_start3A_28] : memref<10008x128xf32, #tpu.memory_space<vmem_shared>> -> memref<104x128xf32, #tpu.memory_space<vmem_shared>>
        %dma_start3A_30 = arith.constant 0 : i32
        %dma_start3A_31 = arith.constant 0 : i32
        %dma_start3A_32 = tpu.memref_slice %arg8[%dma_start3A_30, %dma_start3A_31] : memref<128x128xf32, #tpu.memory_space<vmem>> -> memref<104x128xf32, #tpu.memory_space<vmem>>
        %dma_start3A_33 = arith.constant 0 : i32
        %dma_start3A_34 = tpu.memref_slice %arg9[%add3A_25, %dma_start3A_33] : memref<10008x128xf32, #tpu.memory_space<vmem_shared>> -> memref<104x128xf32, #tpu.memory_space<vmem_shared>>
        tpu.enqueue_dma source(%dma_start3A_34 : memref<104x128xf32, #tpu.memory_space<vmem_shared>>) target(%dma_start3A_32 : memref<104x128xf32, #tpu.memory_space<vmem>>) target_semaphore(%run_scoped3A : memref<!tpu.dma_semaphore, #tpu.memory_space<semaphore_mem>>)
        %dma_wait3A = arith.constant 0 : i32
        %dma_wait3A_35 = arith.constant 0 : i32
        %dma_wait3A_36 = tpu.memref_slice %arg8[%dma_wait3A, %dma_wait3A_35] : memref<128x128xf32, #tpu.memory_space<vmem>> -> memref<104x128xf32, #tpu.memory_space<vmem>>
        %dma_wait3A_37 = arith.constant 0 : i32
        %dma_wait3A_38 = tpu.memref_slice %arg9[%add3A_25, %dma_wait3A_37] : memref<10008x128xf32, #tpu.memory_space<vmem_shared>> -> memref<104x128xf32, #tpu.memory_space<vmem_shared>>
        %dma_wait3A_39 = arith.constant 0 : i32
        %dma_wait3A_40 = arith.constant 0 : i32
        %dma_wait3A_41 = tpu.memref_slice %arg8[%dma_wait3A_39, %dma_wait3A_40] : memref<128x128xf32, #tpu.memory_space<vmem>> -> memref<104x128xf32, #tpu.memory_space<vmem>>
        %dma_wait3A_42 = arith.constant 0 : i32
        %dma_wait3A_43 = tpu.memref_slice %arg9[%add3A_25, %dma_wait3A_42] : memref<10008x128xf32, #tpu.memory_space<vmem_shared>> -> memref<104x128xf32, #tpu.memory_space<vmem_shared>>
        tpu.wait_dma2 semaphore(%run_scoped3A : memref<!tpu.dma_semaphore, #tpu.memory_space<semaphore_mem>>) src(%dma_wait3A_43 : memref<104x128xf32, #tpu.memory_space<vmem_shared>>) dst(%dma_wait3A_41 : memref<104x128xf32, #tpu.memory_space<vmem>>)
        tpu.yield
      }) : () -> ()
      "tpu.region"() ({
        %run_scoped3A = tpu.sem_alloc : memref<!tpu.dma_semaphore, #tpu.memory_space<semaphore_mem>>
        %dma_start3A = arith.constant 0 : i32
        %dma_start3A_26 = arith.constant 0 : i32
        %dma_start3A_27 = tpu.memref_slice %arg8[%dma_start3A, %dma_start3A_26] : memref<128x128xf32, #tpu.memory_space<vmem>> -> memref<104x128xf32, #tpu.memory_space<vmem>>
        %dma_start3A_28 = arith.constant 0 : i32
        %dma_start3A_29 = tpu.memref_slice %arg5[%arg0, %add3A_25, %dma_start3A_28] : memref<2x10000x128xf32, #tpu.memory_space<hbm>> -> memref<1x104x128xf32, #tpu.memory_space<hbm>>
        %dma_start3A_30 = tpu.memref_squeeze %dma_start3A_29 : memref<1x104x128xf32, #tpu.memory_space<hbm>> -> memref<104x128xf32, #tpu.memory_space<hbm>>
        %dma_start3A_31 = arith.constant 0 : i32
        %dma_start3A_32 = tpu.memref_slice %arg5[%arg0, %add3A_25, %dma_start3A_31] : memref<2x10000x128xf32, #tpu.memory_space<hbm>> -> memref<1x104x128xf32, #tpu.memory_space<hbm>>
        %dma_start3A_33 = tpu.memref_squeeze %dma_start3A_32 : memref<1x104x128xf32, #tpu.memory_space<hbm>> -> memref<104x128xf32, #tpu.memory_space<hbm>>
        %dma_start3A_34 = arith.constant 0 : i32
        %dma_start3A_35 = arith.constant 0 : i32
        %dma_start3A_36 = tpu.memref_slice %arg8[%dma_start3A_34, %dma_start3A_35] : memref<128x128xf32, #tpu.memory_space<vmem>> -> memref<104x128xf32, #tpu.memory_space<vmem>>
        tpu.enqueue_dma source(%dma_start3A_36 : memref<104x128xf32, #tpu.memory_space<vmem>>) target(%dma_start3A_33 : memref<104x128xf32, #tpu.memory_space<hbm>>) target_semaphore(%run_scoped3A : memref<!tpu.dma_semaphore, #tpu.memory_space<semaphore_mem>>)
        %dma_wait3A = arith.constant 0 : i32
        %dma_wait3A_37 = arith.constant 0 : i32
        %dma_wait3A_38 = tpu.memref_slice %arg8[%dma_wait3A, %dma_wait3A_37] : memref<128x128xf32, #tpu.memory_space<vmem>> -> memref<104x128xf32, #tpu.memory_space<vmem>>
        %dma_wait3A_39 = arith.constant 0 : i32
        %dma_wait3A_40 = tpu.memref_slice %arg5[%arg0, %add3A_25, %dma_wait3A_39] : memref<2x10000x128xf32, #tpu.memory_space<hbm>> -> memref<1x104x128xf32, #tpu.memory_space<hbm>>
        %dma_wait3A_41 = tpu.memref_squeeze %dma_wait3A_40 : memref<1x104x128xf32, #tpu.memory_space<hbm>> -> memref<104x128xf32, #tpu.memory_space<hbm>>
        %dma_wait3A_42 = arith.constant 0 : i32
        %dma_wait3A_43 = tpu.memref_slice %arg5[%arg0, %add3A_25, %dma_wait3A_42] : memref<2x10000x128xf32, #tpu.memory_space<hbm>> -> memref<1x104x128xf32, #tpu.memory_space<hbm>>
        %dma_wait3A_44 = tpu.memref_squeeze %dma_wait3A_43 : memref<1x104x128xf32, #tpu.memory_space<hbm>> -> memref<104x128xf32, #tpu.memory_space<hbm>>
        %dma_wait3A_45 = arith.constant 0 : i32
        %dma_wait3A_46 = arith.constant 0 : i32
        %dma_wait3A_47 = tpu.memref_slice %arg8[%dma_wait3A_45, %dma_wait3A_46] : memref<128x128xf32, #tpu.memory_space<vmem>> -> memref<104x128xf32, #tpu.memory_space<vmem>>
        tpu.wait_dma2 semaphore(%run_scoped3A : memref<!tpu.dma_semaphore, #tpu.memory_space<semaphore_mem>>) src(%dma_wait3A_47 : memref<104x128xf32, #tpu.memory_space<vmem>>) dst(%dma_wait3A_44 : memref<104x128xf32, #tpu.memory_space<hbm>>)
        tpu.yield
      }) : () -> ()
    } else {
    }
    return
  }
}

module attributes {stable_mosaic.version = 14 : i64} {
  func.func @_tc_body(%arg0: i32, %arg1: memref<2000x128xf32, #tpu.memory_space<vmem>>, %arg2: memref<2x2000x128xf32, #tpu.memory_space<vmem>>, %arg3: memref<2000x128xf32, #tpu.memory_space<vmem>>, %arg4: memref<128x128xf32, #tpu.memory_space<vmem>>, %arg5: memref<128x128xf32, #tpu.memory_space<vmem>>, %arg6: memref<1x128xf32, #tpu.memory_space<vmem>>, %arg7: memref<2000x128xf32, #tpu.memory_space<vmem>>) attributes {dimension_semantics = [#tpu.dimension_semantics<arbitrary>], iteration_bounds = array<i64: 5>, scalar_prefetch = 0 : i64, scratch_operands = 0 : i64, tpu.core_type = #tpu.core_type<tc>, window_params = [{transform_indices = @transform_0, window_bounds = array<i64: 2000, 128>}, {transform_indices = @transform_1, window_bounds = array<i64: 2, 2000, 128>}, {transform_indices = @transform_2, window_bounds = array<i64: 2000, 128>}, {pipeline_mode = #tpu.pipeline_mode<synchronous>, transform_indices = @transform_3, window_bounds = array<i64: 128, 128>}, {pipeline_mode = #tpu.pipeline_mode<synchronous>, transform_indices = @transform_4, window_bounds = array<i64: 128, 128>}, {pipeline_mode = #tpu.pipeline_mode<synchronous>, transform_indices = @transform_5, window_bounds = array<i64: 1, 128>}, {transform_indices = @transform_6, window_bounds = array<i64: 2000, 128>}]} {
    %get3A = arith.constant 0 : index
    %get3A_0 = arith.constant 0 : index
    %get3A_1 = vector.load %arg1[%get3A, %get3A_0] : memref<2000x128xf32, #tpu.memory_space<vmem>>, vector<2000x128xf32>
    %get3A_2 = arith.constant 0 : index
    %get3A_3 = arith.constant 0 : index
    %get3A_4 = arith.constant 0 : index
    %get3A_5 = vector.load %arg2[%get3A_2, %get3A_3, %get3A_4] : memref<2x2000x128xf32, #tpu.memory_space<vmem>>, vector<1x2000x128xf32>
    %get3A_6 = vector.shape_cast %get3A_5 : vector<1x2000x128xf32> to vector<2000x128xf32>
    %get3A_7 = arith.constant 1 : index
    %get3A_8 = arith.constant 0 : index
    %get3A_9 = arith.constant 0 : index
    %get3A_10 = vector.load %arg2[%get3A_7, %get3A_8, %get3A_9] : memref<2x2000x128xf32, #tpu.memory_space<vmem>>, vector<1x2000x128xf32>
    %get3A_11 = vector.shape_cast %get3A_10 : vector<1x2000x128xf32> to vector<2000x128xf32>
    %add3A = arith.addf %get3A_6, %get3A_11 : vector<2000x128xf32>
    %get3A_12 = arith.constant 0 : index
    %get3A_13 = arith.constant 0 : index
    %get3A_14 = vector.load %arg3[%get3A_12, %get3A_13] : memref<2000x128xf32, #tpu.memory_space<vmem>>, vector<2000x128xf32>
    %mul3A = arith.mulf %add3A, %get3A_14 : vector<2000x128xf32>
    %get3A_15 = arith.constant 0 : index
    %get3A_16 = arith.constant 0 : index
    %get3A_17 = vector.load %arg4[%get3A_15, %get3A_16] : memref<128x128xf32, #tpu.memory_space<vmem>>, vector<128x128xf32>
    %dot_general3A = arith.constant dense<0.000000e+00> : vector<2000x128xf32>
    %dot_general3A_18 = tpu.matmul %get3A_1, %get3A_17, %dot_general3A {dimension_numbers = #tpu.dot_dimension_numbers<[1], [0], [0], [1], [0, 0, 1, 1], [], []>, transpose_lhs_hint = false} : vector<2000x128xf32>, vector<128x128xf32>, vector<2000x128xf32> -> vector<2000x128xf32>
    %get3A_19 = arith.constant 0 : index
    %get3A_20 = arith.constant 0 : index
    %get3A_21 = vector.load %arg5[%get3A_19, %get3A_20] : memref<128x128xf32, #tpu.memory_space<vmem>>, vector<128x128xf32>
    %dot_general3A_22 = arith.constant dense<0.000000e+00> : vector<2000x128xf32>
    %dot_general3A_23 = tpu.matmul %mul3A, %get3A_21, %dot_general3A_22 {dimension_numbers = #tpu.dot_dimension_numbers<[1], [0], [0], [1], [0, 0, 1, 1], [], []>, transpose_lhs_hint = false} : vector<2000x128xf32>, vector<128x128xf32>, vector<2000x128xf32> -> vector<2000x128xf32>
    %add3A_24 = arith.addf %dot_general3A_18, %dot_general3A_23 : vector<2000x128xf32>
    %get3A_25 = arith.constant 0 : index
    %get3A_26 = arith.constant 0 : index
    %get3A_27 = vector.load %arg6[%get3A_25, %get3A_26] : memref<1x128xf32, #tpu.memory_space<vmem>>, vector<1x128xf32>
    %add3A_28 = vector.broadcast %get3A_27 : vector<1x128xf32> to vector<2000x128xf32>
    %add3A_29 = arith.addf %add3A_24, %add3A_28 : vector<2000x128xf32>
    %max3A = arith.constant 0.000000e+00 : f32
    %max3A_30 = vector.broadcast %max3A : f32 to vector<2000x128xf32>
    %max3A_31 = arith.maximumf %add3A_29, %max3A_30 : vector<2000x128xf32>
    %mul3A_32 = arith.mulf %max3A_31, %max3A_31 : vector<2000x128xf32>
    %reduce_sum3A = arith.constant dense<0.000000e+00> : vector<2000xf32>
    %reduce_sum3A_33 = vector.multi_reduction <add>, %mul3A_32, %reduce_sum3A [1] : vector<2000x128xf32> to vector<2000xf32>
    %broadcast_in_dim3A = vector.shape_cast %reduce_sum3A_33 : vector<2000xf32> to vector<2000x1xf32>
    %sub3A = arith.constant 1.000000e+00 : f32
    %sub3A_34 = vector.broadcast %sub3A : f32 to vector<2000x1xf32>
    %sub3A_35 = arith.subf %broadcast_in_dim3A, %sub3A_34 : vector<2000x1xf32>
    %max3A_36 = arith.constant 9.99999993E-9 : f32
    %max3A_37 = vector.broadcast %max3A_36 : f32 to vector<2000x1xf32>
    %max3A_38 = arith.maximumf %sub3A_35, %max3A_37 : vector<2000x1xf32>
    %sqrt3A = math.sqrt %max3A_38 : vector<2000x1xf32>
    %div3A = vector.broadcast %sqrt3A : vector<2000x1xf32> to vector<2000x128xf32>
    %div3A_39 = arith.divf %max3A_31, %div3A : vector<2000x128xf32>
    %eq3A = arith.constant 0.000000e+00 : f32
    %eq3A_40 = vector.broadcast %eq3A : f32 to vector<2000x128xf32>
    %eq3A_41 = arith.cmpf oeq, %div3A_39, %eq3A_40 : vector<2000x128xf32>
    %reduce_and3A = arith.constant 1.000000e+00 : f32
    %reduce_and3A_42 = arith.constant 0.000000e+00 : f32
    %reduce_and3A_43 = vector.broadcast %reduce_and3A : f32 to vector<2000x128xf32>
    %reduce_and3A_44 = vector.broadcast %reduce_and3A_42 : f32 to vector<2000x128xf32>
    %reduce_and3A_45 = arith.select %eq3A_41, %reduce_and3A_43, %reduce_and3A_44 : vector<2000x128xi1>, vector<2000x128xf32>
    %reduce_and3A_46 = arith.constant dense<0x7F800000> : vector<2000xf32>
    %reduce_and3A_47 = vector.multi_reduction <minimumf>, %reduce_and3A_45, %reduce_and3A_46 [1] : vector<2000x128xf32> to vector<2000xf32>
    %reduce_and3A_48 = arith.constant 0.000000e+00 : f32
    %reduce_and3A_49 = vector.broadcast %reduce_and3A_48 : f32 to vector<2000xf32>
    %reduce_and3A_50 = arith.cmpf ogt, %reduce_and3A_47, %reduce_and3A_49 : vector<2000xf32>
    %broadcast_in_dim3A_51 = vector.shape_cast %reduce_and3A_50 : vector<2000xi1> to vector<2000x1xi1>
    %jit3A = arith.constant 1.000000e+00 : f32
    %broadcast_in_dim3A_52 = vector.shape_cast %broadcast_in_dim3A_51 : vector<2000x1xi1> to vector<2000x1xi1>
    %broadcast_in_dim3A_53 = vector.broadcast %broadcast_in_dim3A_52 : vector<2000x1xi1> to vector<2000x128xi1>
    %broadcast_in_dim3A_54 = vector.broadcast %jit3A : f32 to vector<2000x128xf32>
    %select_n3A = arith.select %broadcast_in_dim3A_53, %broadcast_in_dim3A_54, %div3A_39 : vector<2000x128xi1>, vector<2000x128xf32>
    %mul3A_55 = arith.mulf %select_n3A, %select_n3A : vector<2000x128xf32>
    %reduce_sum3A_56 = arith.constant dense<0.000000e+00> : vector<2000xf32>
    %reduce_sum3A_57 = vector.multi_reduction <add>, %mul3A_55, %reduce_sum3A_56 [1] : vector<2000x128xf32> to vector<2000xf32>
    %broadcast_in_dim3A_58 = vector.shape_cast %reduce_sum3A_57 : vector<2000xf32> to vector<2000x1xf32>
    %sqrt3A_59 = math.sqrt %broadcast_in_dim3A_58 : vector<2000x1xf32>
    %max3A_60 = arith.constant 9.99999993E-9 : f32
    %max3A_61 = vector.broadcast %max3A_60 : f32 to vector<2000x1xf32>
    %max3A_62 = arith.maximumf %sqrt3A_59, %max3A_61 : vector<2000x1xf32>
    %div3A_63 = vector.broadcast %max3A_62 : vector<2000x1xf32> to vector<2000x128xf32>
    %div3A_64 = arith.divf %select_n3A, %div3A_63 : vector<2000x128xf32>
    %swap3A = arith.constant 0 : index
    %swap3A_65 = arith.constant 0 : index
    %swap3A_66 = vector.load %arg7[%swap3A, %swap3A_65] : memref<2000x128xf32, #tpu.memory_space<vmem>>, vector<2000x128xf32>
    tpu.vector_store %arg7[%swap3A, %swap3A_65], %div3A_64 {strides = array<i32>} : memref<2000x128xf32, #tpu.memory_space<vmem>>, vector<2000x128xf32>,
    return
  }
  func.func @transform_0(%arg0: i32) -> (i32, i32) {
    %c0_i32 = arith.constant 0 : i32
    %c0_i32_0 = arith.constant 0 : i32
    return %arg0, %c0_i32 : i32, i32
  }
  func.func @transform_1(%arg0: i32) -> (i32, i32, i32) {
    %c0_i32 = arith.constant 0 : i32
    %c0_i32_0 = arith.constant 0 : i32
    %c0_i32_1 = arith.constant 0 : i32
    return %c0_i32, %arg0, %c0_i32_0 : i32, i32, i32
  }
  func.func @transform_2(%arg0: i32) -> (i32, i32) {
    %c0_i32 = arith.constant 0 : i32
    %c0_i32_0 = arith.constant 0 : i32
    return %arg0, %c0_i32 : i32, i32
  }
  func.func @transform_3(%arg0: i32) -> (i32, i32) {
    %c0_i32 = arith.constant 0 : i32
    %c0_i32_0 = arith.constant 0 : i32
    %c0_i32_1 = arith.constant 0 : i32
    return %c0_i32, %c0_i32_0 : i32, i32
  }
  func.func @transform_4(%arg0: i32) -> (i32, i32) {
    %c0_i32 = arith.constant 0 : i32
    %c0_i32_0 = arith.constant 0 : i32
    %c0_i32_1 = arith.constant 0 : i32
    return %c0_i32, %c0_i32_0 : i32, i32
  }
  func.func @transform_5(%arg0: i32) -> (i32, i32) {
    %c0_i32 = arith.constant 0 : i32
    %c0_i32_0 = arith.constant 0 : i32
    %c0_i32_1 = arith.constant 0 : i32
    return %c0_i32, %c0_i32_0 : i32, i32
  }
  func.func @transform_6(%arg0: i32) -> (i32, i32) {
    %c0_i32 = arith.constant 0 : i32
    %c0_i32_0 = arith.constant 0 : i32
    return %arg0, %c0_i32 : i32, i32
  }
}

</mosaic_0001>

<sc_bundles>
// kernel: kernel.4.cloned.1.call-start
scs
__scs_entry_jumppad:
0x0: {  	(pc) =	sbr.rel $0x88, $3  }
0x1: {  	(tag) =	ssettag $0x0;
	lr =	simm.s32 $0x1  }
0x2: {  	[smem:$0x3F9D] =	sst lr;
	_ =	strace $0xD0000000  }
0x3: {  	_ = 	snop  }
0x4: {  	_ = 	snop  }
0x5: {  	_ = 	snop  }
0x6: {  	_ = 	snop  }
0x7: {  	_ = 	snop  }
__scs_overlays_trampoline_lowered:
0x8: {  	[smem:$0x3FAC] =	sst s0  }
0x9: {  	[smem:$0x3FAD] =	sst s1  }
0xa: {  	[smem:$0x3FAE] =	sst s2  }
0xb: {  	[smem:$0x3FAF] =	sst s3  }
0xc: {  	[smem:$0x3FB0] =	sst s4  }
0xd: {  	[smem:$0x3FB1] =	sst s5  }
0xe: {  	[smem:$0x3FB2] =	sst s6  }
0xf: {  	[smem:$0x3FB3] =	sst s7  }
0x10: {  	[smem:$0x3FB4] =	sst s8  }
0x11: {  	[smem:$0x3FB5] =	sst s9;
	s0 =	simm.s32 @!p0 $0x0  }
0x12: {  	s1 =	sld [smem:$0x3F9B];
	s0 =	simm.s32 @p0 $0x1  }
0x13: {  	[smem:$0x3FB6] =	sst s0;
	s0 =	simm.s32 @!p1 $0x0  }
0x14: {  	s2 =	sld [smem:$0x3F9A];
	s0 =	simm.s32 @p1 $0x1  }
0x15: {  	[smem:$0x3FB7] =	sst s0;
	s0 =	simm.s32 @!p2 $0x0  }
0x16: {  	s3 =	sld [smem:$0x3FDB];
	s0 =	simm.s32 @p2 $0x1  }
0x17: {  	s4 =	simm.s32 $0x1BF5;
	[smem:$0x3FB9] =	sst s0  }
0x18: {  	s0 =	sld [smem:$0x3F9C];
	_ =	swait.ge [sflag:s4], $0x0  }
0x19: {  	s7 =	sld [smem:$0x3F9D]  }
0x1a: {  	s8 =	sadd.s32 $0xFFFFE003, lr  }
0x1b: {  	s9 =	sadd.s32 $0xFFFFFEF7, lr;
	s5 =	simm.s32 $0xFFFFFFFF;
	p2 =	slt.u32 s8, $0xFFFFF086  }
0x1c: {  	p1 =	slt.u32 s9, $0xF7A;
	s5 =	simm.s32 @!p2 $0x0  }
0x1d: {  	s5 =	simm.s32 @p1 $0x1;
	p0 =	seq.s32 s7, s2  }
0x1e: {  	s7 =	smul.u32 @!p0 $0xF7A, s2;
	p2 =	seq.s32 @!p0 s5, $0x0  }
0x1f: {  	s9 =	smul.u32 $0xF7A, s1;
	s8 =	simm.s32 @!p0 $0x1BF5;
	p2 =	por !p2, p0  }
0x20: {  	[sflag:s8] =	ssyncset.s32 @!p0 $0xFFFFF086;
	s6 =	sadd.s32 @!p0 s3, s7;
	s7 =	simm.s32 @!p0 $0x108  }
0x21: {  	s3 =	sadd.s32 s3, s9;
	s6 =	sadd.s32 @!p0 $0x88, s6;
	s7 =	simm.s32 @p2 $0x1082  }
0x22: {  	[simem:s7], [sflag:s8] =	dma.local @!p0 [hbm:s6], $0xF7A  }
0x23: {  	s9 =	sor.u32 $0xD0000000, s2;
	s6 =	simm.s32 $0x108;
	_ =	swait.ge @!p0 [sflag:s8], $0x0  }
0x24: {  	s3 =	sadd.s32 $0x88, s3;
	s6 =	simm.s32 @!p1 $0x1082;
	[sflag:s4] =	ssyncset.s32 $0xFFFFF086  }
0x25: {  	[simem:s6], [sflag:s4] =	dma.local [hbm:s3], $0xF7A  }
0x26: {  	[smem:$0x3F9D] =	sst s1;
	(tag) =	ssettag s2;
	_ =	strace s9  }
0x27: {  	s1 =	sld [smem:$0x3FAD]  }
0x28: {  	s2 =	sld [smem:$0x3FAE]  }
0x29: {  	s4 =	sld [smem:$0x3FB0]  }
0x2a: {  	p0 =	seq.s32 s5, $0x0;
	s5 =	sld [smem:$0x3FB1]  }
0x2b: {  	s6 =	sld [smem:$0x3FB2]  }
0x2c: {  	s7 =	sld [smem:$0x3FB3]  }
0x2d: {  	s3 =	simm.s32 $0x108;
	s8 =	sld [smem:$0x3FB4]  }
0x2e: {  	s3 =	simm.s32 @!p0 $0x1082;
	s9 =	sld [smem:$0x3FB5]  }
0x2f: {  	lr =	sadd.s32 s0, s3;
	s0 =	sld [smem:$0x3FAC]  }
0x30: {  	s3 =	sld [smem:$0x3FAF]  }
0x31: {  	[smem:$0x3FB8] =	sst s10  }
0x32: {  	s10 =	sld [smem:$0x3FB6];
	_ =	sdelay $0x3  }
0x33: {  	p0 =	seq.s32 s10, $0x1;
	s10 =	sld [smem:$0x3FB8];
	_ =	sdelay $0x3  }
0x34: {  	[smem:$0x3FB8] =	sst s10  }
0x35: {  	s10 =	sld [smem:$0x3FB7];
	_ =	sdelay $0x3  }
0x36: {  	p1 =	seq.s32 s10, $0x1;
	s10 =	sld [smem:$0x3FB8];
	_ =	sdelay $0x3  }
0x37: {  	[smem:$0x3FB8] =	sst s10  }
0x38: {  	s10 =	sld [smem:$0x3FB9]  }
0x39: {  	_ = 	snop;
	(pc) =	sbr.ind lr, $3  }
0x3a: {  	_ = 	snop  }
0x3b: {  	_ = 	snop  }
0x3c: {  	p2 =	seq.s32 s10, $0x1;
	s10 =	sld [smem:$0x3FB8]  }
0x3d: {  	_ =	shalt  }
0x3e: {  	_ =	shalt  }
0x3f: {  	_ =	shalt  }
0x40: {  	_ =	shalt  }
0x41: {  	_ =	shalt  }
0x42: {  	_ =	shalt  }
0x43: {  	_ =	shalt  }
0x44: {  	_ =	shalt  }
0x45: {  	_ =	shalt  }
0x46: {  	_ =	shalt  }
0x47: {  	_ =	shalt  }
0x48: {  	_ =	shalt  }
0x49: {  	_ =	shalt  }
0x4a: {  	_ =	shalt  }
0x4b: {  	_ =	shalt  }
0x4c: {  	_ =	shalt  }
0x4d: {  	_ =	shalt  }
0x4e: {  	_ =	shalt  }
0x4f: {  	_ =	shalt  }
0x50: {  	_ =	shalt  }
0x51: {  	_ =	shalt  }
0x52: {  	_ =	shalt  }
0x53: {  	_ =	shalt  }
0x54: {  	_ =	shalt  }
0x55: {  	_ =	shalt  }
0x56: {  	_ =	shalt  }
0x57: {  	_ =	shalt  }
0x58: {  	_ =	shalt  }
0x59: {  	_ =	shalt  }
0x5a: {  	_ =	shalt  }
0x5b: {  	_ =	shalt  }
0x5c: {  	_ =	shalt  }
0x5d: {  	_ =	shalt  }
0x5e: {  	_ =	shalt  }
0x5f: {  	_ =	shalt  }
0x60: {  	_ =	shalt  }
0x61: {  	_ =	shalt  }
0x62: {  	_ =	shalt  }
0x63: {  	_ =	shalt  }
0x64: {  	_ =	shalt  }
0x65: {  	_ =	shalt  }
0x66: {  	_ =	shalt  }
0x67: {  	_ =	shalt  }
0x68: {  	_ =	shalt  }
0x69: {  	_ =	shalt  }
0x6a: {  	_ =	shalt  }
0x6b: {  	_ =	shalt  }
0x6c: {  	_ =	shalt  }
0x6d: {  	_ =	shalt  }
0x6e: {  	_ =	shalt  }
0x6f: {  	_ =	shalt  }
0x70: {  	_ =	shalt  }
0x71: {  	_ =	shalt  }
0x72: {  	_ =	shalt  }
0x73: {  	_ =	shalt  }
0x74: {  	_ =	shalt  }
0x75: {  	_ =	shalt  }
0x76: {  	_ =	shalt  }
0x77: {  	_ =	shalt  }
0x78: {  	_ =	shalt  }
0x79: {  	_ =	shalt  }
0x7a: {  	_ =	shalt  }
0x7b: {  	_ =	shalt  }
0x7c: {  	_ =	shalt  }
0x7d: {  	_ =	shalt  }
0x7e: {  	_ =	shalt  }
0x7f: {  	_ =	shalt  }
0x80: {  	_ =	shalt  }
0x81: {  	_ =	shalt  }
0x82: {  	_ =	shalt  }
0x83: {  	_ =	shalt  }
0x84: {  	_ =	shalt  }
0x85: {  	_ =	shalt  }
0x86: {  	_ =	shalt  }
0x87: {  	_ =	shalt  }
.Lfunc_end0:
.L_simem_size_0:
called_computation.1_lowered:
.L_overlay_start_0:
0x88: {  	s2 =	sld [smem:$0x3FD9]  }
0x89: {  	s3 =	sld [smem:$0x3FFE];
	_ =	sdelay $0x1  }
0x8a: {  	s1 =	srdreg.scid  }
0x8b: {  	s0 =	sand.u32 $0x1, s1  }
0x8c: {  	s17 =	sshll.u32 s0, $0xA;
	s2 =	sadd.s32 s3, s2  }
0x8d: {  	s2 =	sadd.s32 s2, s17  }
0x8e: {  	[smem:$0x3FC4] =	sst s2  }
0x8f: {  	_ = 	snop  }
0x90: {  	s18 =	sld [smem:$0x3FD0];
	(tm) =	ssettm $0x1  }
0x91: {  	s19 =	sld [smem:$0x3FFB];
	_ =	sdelay $0x3  }
0x92: {  	_ =	strace s19  }
0x93: {  	s2 =	sld [smem:$0x3FFC];
	_ =	sdelay $0x3  }
0x94: {  	_ =	strace s2  }
0x95: {  	s2 =	sld [smem:$0x3FFD];
	_ =	sdelay $0x3  }
0x96: {  	_ =	strace s2  }
0x97: {  	_ =	strace $0x8FFFFFFF  }
0x98: {  	s20 =	sld [smem:$0x3FDB];
	_ =	sdelay $0x1  }
0x99: {  	s4 =	simm.s32 $_scs_section_size  }
0x9a: {  	s5 =	simm.s32 $_size__tile_overlayer_lowered;
	s6 =	simm.s32 $_tile_overlayer_lowered  }
0x9b: {  	s7 =	simm.s32 $0x1BFF;
	s21 =	sshll.u32 s6, $0x1;
	s4 =	sadd.s32 s4, s20  }
0x9c: {  	s22 =	simm.s32 $0x0;
	s5 =	sshll.u32 s5, $0x1;
	s6 =	sadd.s32 s21, s4  }
0x9d: {  	[timem:s22], [sflag:s7] =	dma.local [hbm:s6], s5  }
0x9e: {  	_ =	swait.ge [sflag:s7], s5  }
0x9f: {  	s5 =	ssub.s32 $0x0, s5;
	[sflag:s7] =	ssyncset.done $0x0  }
0xa0: {  	[sflag:s7] =	ssyncadd.s32 s5;
	_ =	sdelay $0x1  }
0xa1: {  	s23 =	simm.s32 $0x1B8B  }
0xa2: {  	_ =	swait.ge [sflag:s23], $0x1  }
0xa3: {  	[sflag:s23] =	ssyncset.done $0x0  }
0xa4: {  	[sflag:s23] =	ssyncadd.s32 $0xFFFFFFFF  }
0xa5: {  	s5 =	sld [smem:$0x0]  }
0xa6: {  	s6 =	sand.u32 $0xFFFFFFFE, s1  }
0xa7: {  	p0 =	sne.s32 s1, s6  }
0xa8: {  	s6 =	sshll.u32 @p0 s6, $0xE  }
0xa9: {  	s6 =	sadd.s32 @p0 $0x11B8D, s6;
	s7 =	sshll.u32 @p0 s5, $0x11  }
0xaa: {  	s6 =	sor.u32 @p0 s7, s6  }
0xab: {  	[sflag:s6] =	ssyncadd.remote.s32 @p0 $0x1;
	_ =	sdelay $0x1  }
0xac: {  	s6 =	simm.s32 @p0 $0x1B8D  }
0xad: {  	_ =	swait.eq @p0 [sflag:s6], $0x1  }
0xae: {  	[sflag:s6] =	ssyncadd.s32 @p0 $0xFFFFFFFF  }
0xaf: {  	s7 =	sshll.u32 @!p0 s1, $0xE  }
0xb0: {  	s7 =	sor.u32 @!p0 $0x4000, s7;
	s6 =	simm.s32 @!p0 $0x1B8D  }
0xb1: {  	s5 =	sshll.u32 @!p0 s5, $0x11;
	s7 =	sadd.s32 @!p0 $0x11B8D, s7;
	_ =	swait.eq @!p0 [sflag:s6], $0x1  }
0xb2: {  	s5 =	sor.u32 @!p0 s5, s7;
	[sflag:s6] =	ssyncadd.s32 @!p0 $0xFFFFFFFF  }
0xb3: {  	s25 =	simm.s32 $0x1B8E;
	s24 =	sld [smem:$0x3FFE];
	[sflag:s5] =	ssyncadd.remote.s32 @!p0 $0x1  }
0xb4: {  	s26 =	simm.s32 $execute0_lowered;
	[smem:$0x3FD2] =	sst s25  }
0xb5: {  	s6 =	sshll.u32 s26, $0x1;
	_ =	strace $0x80000049;
	[dreg:$0x1] =	wrdreg $0xFFFFFFFF  }
0xb6: {  	s28 =	simm.s32 $_size_execute0_lowered;
	s4 =	sadd.s32 s4, s6;
	[dreg:$0x0] =	wrdreg $0x0  }
0xb7: {  	s6 =	sshll.u32 s28, $0x1;
	[dreg:$0x2] =	wrdreg s4  }
0xb8: {  	[dreg:$0x3] =	wrdreg s6  }
0xb9: {  	[dreg:$0x4] =	wrdreg $0xC0  }
0xba: {  	_ =	task [dreg:s22], $0x5FFFF  }
0xbb: {  	[dreg:$0x1] =	wrdreg $0xFFFFFFFF  }
0xbc: {  	[dreg:$0x0] =	wrdreg $0x60  }
0xbd: {  	[dreg:$0x2] =	wrdreg s18  }
0xbe: {  	[dreg:$0x3] =	wrdreg s24  }
0xbf: {  	[dreg:$0x4] =	wrdreg $0x41000  }
0xc0: {  	[dreg:$0x5] =	wrdreg $0xA  }
0xc1: {  	_ =	task.clear_ibuf [dreg:s22], $0x6FFFF;
	_ =	strace $0x90000049  }
0xc2: {  	s29 =	simm.s32 $0xA;
	_ =	strace $0x8000004B  }
0xc3: {  	_ =	swait.ge [sflag:s29], $0x1  }
0xc4: {  	[sflag:s29] =	ssyncadd.s32 $0xFFFFFFFF  }
0xc5: {  	_ =	strace $0x9000004B  }
0xc6: {  	_ =	sfence  }
0xc7: {  	s30 =	sld [smem:$0x0];
	_ =	sdelay $0x2  }
0xc8: {  	s31 =	sshll.u32 s1, $0xD;
	s1 =	sshrl.u32 s1, $0x2  }
0xc9: {  	s4 =	sand.u32 $0x4000, s31;
	s1 =	sadd.s32 s1, s30  }
0xca: {  	s0 =	sor.u32 s4, s0;
	s1 =	sshll.u32 s1, $0x11  }
0xcb: {  	s0 =	sor.u32 s1, s0  }
0xcc: {  	s0 =	sadd.s32 $0x8F2B, s0  }
0xcd: {  	[sflag:s0] =	ssyncadd.remote.s32 $0x1  }
0xce: {  	_ =	sfence.sel $0xFFFF  }
0xcf: {  	[dreg:$0x0] =	wrdreg $0xFFFFFFFF;
	(pc) =	sbr.abs _section_cstart, $3  }
0xd0: {  	[dreg:$0x1] =	wrdreg $0xFFFFFFFF  }
0xd1: {  	_ =	task.clear_ibuf [dreg:s22], $0x2FFFF;
	_ =	strace $0x9FFFFFFF  }
0xd2: {  	(tm) =	ssettm $0x7FFFFFFF  }
0xd3: {  	_ =	shalt  }
tec
execute0_lowered:
.L_overlay_start_1:
0x0: {  	(tag) =	ssettag $0x1  }
0x1: {  	s1 =	rddreg [dreg:$0x0]  }
0x2: {  	s0 =	rddreg [dreg:$0x1]  }
0x3: {  	s3 =	rddreg [dreg:$0x2];
	s16 =	stileid.u32  }
0x4: {  	s4 =	simm.s32 $0x0;
	s5 =	srdreg.scid;
	s2 =	smul.u32 $0x9E0, s16  }
0x5: {  	[smem:$0x7FF] =	sst s4;
	s7 =	sand.u32 $0x1, s5;
	s6 =	smul.u32 $0x7D000, s16  }
0x6: {  	s8 =	smul.u32 $0x1F400, s16;
	p0 =	sgt.u32 s16, $0x9;
	_ =	strace $0x8000004A  }
0x7: {  	s5 =	ssub.s32 $0x2, s7;
	s10 =	smul.u32 $0x138800, s7;
	p1 =	sne.s32 @p0 s16, $0xA  }
0x8: {  	s2 =	sadd.s32 s2, s0;
	s0 =	sadd.s32 $0x27E00, s0;
	s9 =	sshrl.u32 s5, $0x1  }
0x9: {  	s11 =	sadd.s32 $0x1C000, s8;
	s6 =	sshrl.u32 s6, $0x2;
	s25 =	sadd.s32 $0x4000, s8  }
0xa: {  	s19 =	sadd.s32 $0x8000, s8;
	s20 =	sadd.s32 $0xC000, s8;
	s22 =	sadd.s32 $0x14000, s8  }
0xb: {  	p1 =	por p1, !p0;
	s9 =	ssub.s32 s5, s9;
	s5 =	sadd.s32 $0x27100, s1  }
0xc: {  	s12 =	sadd.s32 s10, s11;
	s13 =	sadd.s32 s10, s8;
	s6 =	sadd.s32 s6, s3  }
0xd: {  	s26 =	sadd.s32 s10, s25;
	s14 =	sadd.s32 s10, s19;
	s15 =	sadd.s32 s10, s20  }
0xe: {  	s21 =	sadd.s32 s10, s22;
	s25 =	sadd.s32 s25, s3;
	s19 =	sadd.s32 s19, s3  }
0xf: {  	s20 =	sadd.s32 s20, s3;
	s22 =	sadd.s32 s22, s3;
	s12 =	sshrl.u32 s12, $0x3  }
0x10: {  	s13 =	sshrl.u32 s13, $0x3;
	s14 =	sshrl.u32 s14, $0x3;
	s15 =	sshrl.u32 s15, $0x3  }
0x11: {  	s23 =	sshrl.u32 s21, $0x3;
	[dreg:$0xd] =	wrdreg s25;
	s28 =	sadd.s32 $0x4000, s6  }
0x12: {  	s29 =	sadd.s32 $0x8000, s6;
	s30 =	sadd.s32 $0xC000, s6;
	s31 =	sadd.s32 $0x10000, s6  }
0x13: {  	s12 =	sadd.s32 s0, s12;
	s24 =	sadd.s32 s0, s13;
	s13 =	sshrl.u32 s26, $0x3  }
0x14: {  	s17 =	sadd.s32 s0, s15;
	s15 =	sadd.s32 $0x1C000, s6;
	[dreg:$0x4] =	wrdreg s12  }
0x15: {  	s26 =	smul.u32 $0x4F0, s7;
	s7 =	simm.s32 $0x100;
	[dreg:$0x5] =	wrdreg s24  }
0x16: {  	s13 =	sadd.s32 s0, s13;
	[dreg:$0x8] =	wrdreg s17;
	s24 =	sadd.s32 s11, s3  }
0x17: {  	s17 =	smax.u32 s9, $0x1;
	[dreg:$0x6] =	wrdreg s13;
	s13 =	sadd.s32 s0, s14  }
0x18: {  	s9 =	simm.s32 $0x80;
	[dreg:$0x7] =	wrdreg s13;
	s13 =	sadd.s32 $0x10000, s8  }
0x19: {  	s11 =	simm.s32 $0x0;
	s8 =	sadd.s32 $0x18000, s8;
	s18 =	sadd.s32 s10, s13  }
0x1a: {  	[dreg:$0xc] =	wrdreg s24;
	s10 =	sadd.s32 s10, s8;
	s14 =	sshrl.u32 s18, $0x3  }
0x1b: {  	s21 =	sadd.s32 s13, s3;
	s10 =	sshrl.u32 s10, $0x3;
	s14 =	sadd.s32 s0, s14  }
.Ltmp0:
0x1c: {  	[dreg:$0x9] =	wrdreg s14;
	s14 =	sadd.s32 s0, s23;
	(pc) =	sbr.rel .LBB2_1-.Ltmp0, $4  }
0x1d: {  	s0 =	sadd.s32 s0, s10;
	s23 =	sadd.s32 s8, s3;
	[dreg:$0xa] =	wrdreg s14  }
0x1e: {  	s8 =	simm.s32 $0x2;
	s10 =	simm.s32 $0x1;
	[dreg:$0xb] =	wrdreg s0  }
0x1f: {  	s0 =	sadd.s32 s26, s2;
	s26 =	sadd.s32 $0x138800, s3;
	s2 =	sadd.s32 $0x18000, s6  }
0x20: {  	s24 =	sadd.s32 $0x13C00, s0;
	s25 =	sadd.s32 $0x1DA00, s0;
	s0 =	sadd.s32 $0x14000, s6  }
.LBB2_5:
0x21: {  	s11 =	sadd.s32 $0x1, s11  }
0x22: {  	p2 =	sne.s32 s11, s17  }
.Ltmp1:
0x23: {  	_ = 	snop;
	(pc) =	sbr.rel @!p2 .LBB2_6-.Ltmp1, $1  }
0x24: {  	_ =	sdelay $0x3  }
.LBB2_1:
0x25: {  	[tilespmem:s7], [sflag:$0x2] =	stream.linear.gather [hbm4b:s5+s4], $0x4000, $0x38;
	[tilespmem:$0x179C0] =	vst v63  }
0x26: {  	_ =	swait.ge [sflag:s8], $0x4000  }
0x27: {  	[sflag:s8] =	ssyncset.done $0x0  }
0x28: {  	s12 =	simm.s32 @!p1 $0x100;
	[sflag:s8] =	ssyncadd.s32 $0xFFFFC000  }
0x29: {  	[spmem:s26] =	stream.linear.scatter @!p1 [tilespmem:s12], [sflag:$0x2], $0x400, $0x38;
	[tilespmem:$0x179C0] =	vst v63  }
0x2a: {  	s12 =	simm.s32 @!p1 $0x2  }
0x2b: {  	_ =	swait.ge @!p1 [sflag:s12], $0x400  }
0x2c: {  	[sflag:s12] =	ssyncset.done @!p1 $0x0  }
0x2d: {  	s13 =	simm.s32 @!p0 $0x2;
	[sflag:s12] =	ssyncadd.s32 @!p1 $0xFFFFFC00;
	s12 =	simm.s32 @!p0 $0x100  }
0x2e: {  	[spmem:s6] =	stream.linear.scatter @!p0 [tilespmem:s12], [sflag:$0x2], $0x4000, $0x38;
	[tilespmem:$0x179C0] =	vst v63  }
0x2f: {  	_ =	swait.ge @!p0 [sflag:s13], $0x4000  }
0x30: {  	[sflag:s13] =	ssyncset.done @!p0 $0x0  }
0x31: {  	[sflag:s13] =	ssyncadd.s32 @!p0 $0xFFFFC000  }
0x32: {  	[spmem:s28] =	stream.linear.scatter @!p0 [tilespmem:s12], [sflag:$0x2], $0x4000, $0x38;
	[tilespmem:$0x179C0] =	vst v63  }
0x33: {  	_ =	swait.ge @!p0 [sflag:s13], $0x4000  }
0x34: {  	[sflag:s13] =	ssyncset.done @!p0 $0x0  }
0x35: {  	[sflag:s13] =	ssyncadd.s32 @!p0 $0xFFFFC000  }
0x36: {  	[spmem:s29] =	stream.linear.scatter @!p0 [tilespmem:s12], [sflag:$0x2], $0x4000, $0x38;
	[tilespmem:$0x179C0] =	vst v63  }
0x37: {  	_ =	swait.ge @!p0 [sflag:s13], $0x4000  }
0x38: {  	[sflag:s13] =	ssyncset.done @!p0 $0x0  }
0x39: {  	[sflag:s13] =	ssyncadd.s32 @!p0 $0xFFFFC000  }
0x3a: {  	[spmem:s30] =	stream.linear.scatter @!p0 [tilespmem:s12], [sflag:$0x2], $0x4000, $0x38;
	[tilespmem:$0x179C0] =	vst v63  }
0x3b: {  	_ =	swait.ge @!p0 [sflag:s13], $0x4000  }
0x3c: {  	[sflag:s13] =	ssyncset.done @!p0 $0x0  }
0x3d: {  	[sflag:s13] =	ssyncadd.s32 @!p0 $0xFFFFC000  }
0x3e: {  	[spmem:s31] =	stream.linear.scatter @!p0 [tilespmem:s12], [sflag:$0x2], $0x4000, $0x38;
	[tilespmem:$0x179C0] =	vst v63  }
0x3f: {  	_ =	swait.ge @!p0 [sflag:s13], $0x4000  }
0x40: {  	[sflag:s13] =	ssyncset.done @!p0 $0x0  }
0x41: {  	[sflag:s13] =	ssyncadd.s32 @!p0 $0xFFFFC000  }
0x42: {  	[spmem:s0] =	stream.linear.scatter @!p0 [tilespmem:s12], [sflag:$0x2], $0x4000, $0x38;
	[tilespmem:$0x179C0] =	vst v63  }
0x43: {  	_ =	swait.ge @!p0 [sflag:s13], $0x4000  }
0x44: {  	[sflag:s13] =	ssyncset.done @!p0 $0x0  }
0x45: {  	[sflag:s13] =	ssyncadd.s32 @!p0 $0xFFFFC000  }
0x46: {  	[spmem:s2] =	stream.linear.scatter @!p0 [tilespmem:s12], [sflag:$0x2], $0x4000, $0x38;
	[tilespmem:$0x179C0] =	vst v63  }
0x47: {  	_ =	swait.ge @!p0 [sflag:s13], $0x4000  }
0x48: {  	[sflag:s13] =	ssyncset.done @!p0 $0x0  }
0x49: {  	[sflag:s13] =	ssyncadd.s32 @!p0 $0xFFFFC000  }
0x4a: {  	[spmem:s15] =	stream.linear.scatter @!p0 [tilespmem:s12], [sflag:$0x2], $0x3400, $0x38;
	[tilespmem:$0x179C0] =	vst v63  }
0x4b: {  	_ =	swait.ge @!p0 [sflag:s13], $0x3400  }
0x4c: {  	[sflag:s13] =	ssyncset.done @!p0 $0x0  }
0x4d: {  	[sflag:s13] =	ssyncadd.s32 @!p0 $0xFFFFCC00  }
0x4e: {  	s16 =	sadd.s32 $0x0, s25;
	[bflag:$0x0] =	sbarrier.arrive $0xFFFF  }
0x4f: {  	[tilespmem:s4], [sflag:$0x2] =	stream.linear.gather [hbm4b:s16+s4], $0x80, $0x38;
	[tilespmem:$0x179C0] =	vst v63  }
0x50: {  	_ =	swait.ge [sflag:s8], $0x80  }
0x51: {  	[sflag:s8] =	ssyncset.done $0x0  }
0x52: {  	s18 =	sadd.s32 $0x0, s24;
	[sflag:s8] =	ssyncadd.s32 $0xFFFFFF80  }
0x53: {  	[tilespmem:s9], [sflag:$0x2] =	stream.linear.gather [hbm4b:s18+s4], $0x80, $0x38;
	[tilespmem:$0x179C0] =	vst v63  }
0x54: {  	_ =	swait.ge [sflag:s8], $0x80  }
0x55: {  	[sflag:s8] =	ssyncset.done $0x0  }
0x56: {  	[sflag:s8] =	ssyncadd.s32 $0xFFFFFF80  }
0x57: {  	[tilespmem:s7], [sflag:$0x1] =	stream.indirect.gather [hbm4b:s1+s9], $0x80, s9, s9, $0xb8;
	[tilespmem:$0x179C0] =	vst v63  }
0x58: {  	_ =	swait.ge [sflag:s10], $0x4000  }
0x59: {  	[sflag:s10] =	ssyncset.done $0x0  }
0x5a: {  	[sflag:s10] =	ssyncadd.s32 $0xFFFFC000  }
0x5b: {  	[spmem:s3] =	stream.indirect.scatter.add.f32 [tilespmem:s7], [sflag:$0x1], $0x80, s4, s9, $0xb8;
	[tilespmem:$0x179C0] =	vst v63  }
0x5c: {  	_ =	swait.ge [sflag:s10], $0x4000  }
0x5d: {  	s12 =	simm.s32 $0x10;
	s13 =	simm.s32 $0x20;
	[sflag:s10] =	ssyncset.done $0x0  }
.LBB2_2:
0x5e: {  	s14 =	sadd.s32 s12, s25  }
0x5f: {  	[sflag:s10] =	ssyncadd.s32 $0xFFFFC000;
	s16 =	smov.u32 s13;
	s18 =	sadd.s32 $0x10, s13  }
0x60: {  	[tilespmem:s4], [sflag:$0x2] =	stream.linear.gather [hbm4b:s14+s4], $0x80, $0x38;
	[tilespmem:$0x179C0] =	vst v63  }
0x61: {  	p2 =	sne.s32 s13, $0x4E0;
	_ =	swait.ge [sflag:s8], $0x80  }
0x62: {  	[sflag:s8] =	ssyncset.done $0x0  }
0x63: {  	s13 =	sadd.s32 s12, s24;
	s12 =	smov.u32 s16;
	[sflag:s8] =	ssyncadd.s32 $0xFFFFFF80  }
0x64: {  	[tilespmem:s9], [sflag:$0x2] =	stream.linear.gather [hbm4b:s13+s4], $0x80, $0x38;
	[tilespmem:$0x179C0] =	vst v63  }
0x65: {  	_ =	swait.ge [sflag:s8], $0x80  }
0x66: {  	[sflag:s8] =	ssyncset.done $0x0  }
0x67: {  	[sflag:s8] =	ssyncadd.s32 $0xFFFFFF80  }
0x68: {  	[tilespmem:s7], [sflag:$0x1] =	stream.indirect.gather [hbm4b:s1+s9], $0x80, s9, s9, $0xb8;
	[tilespmem:$0x179C0] =	vst v63  }
0x69: {  	_ =	swait.ge [sflag:s10], $0x4000  }
.Ltmp2:
0x6a: {  	[sflag:s10] =	ssyncset.done $0x0;
	(pc) =	sbr.rel @p2 .LBB2_2-.Ltmp2, $4  }
0x6b: {  	[sflag:s10] =	ssyncadd.s32 $0xFFFFC000  }
0x6c: {  	[spmem:s3] =	stream.indirect.scatter.add.f32 [tilespmem:s7], [sflag:$0x1], $0x80, s4, s9, $0xb8;
	[tilespmem:$0x179C0] =	vst v63  }
0x6d: {  	_ =	swait.ge [sflag:s10], $0x4000  }
0x6e: {  	s13 =	smov.u32 s18;
	[sflag:s10] =	ssyncset.done $0x0  }
0x6f: {  	s13 =	sadd.s32 s12, s25;
	[sflag:s10] =	ssyncadd.s32 $0xFFFFC000  }
0x70: {  	[tilespmem:s4], [sflag:$0x2] =	stream.linear.gather [hbm4b:s13+s4], $0x80, $0x38;
	[tilespmem:$0x179C0] =	vst v63  }
0x71: {  	_ =	swait.ge [sflag:s8], $0x80  }
0x72: {  	[sflag:s8] =	ssyncset.done $0x0  }
0x73: {  	s18 =	sadd.s32 s12, s24;
	[sflag:s8] =	ssyncadd.s32 $0xFFFFFF80  }
0x74: {  	[tilespmem:s9], [sflag:$0x2] =	stream.linear.gather [hbm4b:s18+s4], $0x80, $0x38;
	[tilespmem:$0x179C0] =	vst v63  }
0x75: {  	_ =	swait.ge [sflag:s8], $0x80  }
0x76: {  	[sflag:s8] =	ssyncset.done $0x0  }
0x77: {  	[sflag:s8] =	ssyncadd.s32 $0xFFFFFF80  }
0x78: {  	[tilespmem:s7], [sflag:$0x1] =	stream.indirect.gather [hbm4b:s1+s9], $0x80, s9, s9, $0xb8;
	[tilespmem:$0x179C0] =	vst v63  }
0x79: {  	_ =	swait.ge [sflag:s10], $0x4000  }
0x7a: {  	[sflag:s10] =	ssyncset.done $0x0  }
0x7b: {  	[sflag:s10] =	ssyncadd.s32 $0xFFFFC000  }
0x7c: {  	[spmem:s3] =	stream.indirect.scatter.add.f32 [tilespmem:s7], [sflag:$0x1], $0x80, s4, s9, $0xb8;
	[tilespmem:$0x179C0] =	vst v63  }
.Ltmp3:
0x7d: {  	_ =	swait.ge [sflag:s10], $0x4000;
	(pc) =	sbr.rel @p0 .LBB2_5-.Ltmp3, $3  }
0x7e: {  	[sflag:s10] =	ssyncset.done $0x0  }
0x7f: {  	[sflag:s10] =	ssyncadd.s32 $0xFFFFC000  }
0x80: {  	[bflag:$0x0] =	sbarrier.arrive $0xFFFF;
	_ =	sdelay $0x1  }
0x81: {  	[tilespmem:s7], [sflag:$0x2] =	stream.linear.gather [spmem:s6], $0x4000, $0x38;
	[tilespmem:$0x179C0] =	vst v63  }
0x82: {  	_ =	swait.ge [sflag:s8], $0x4000  }
0x83: {  	[sflag:s8] =	ssyncset.done $0x0  }
0x84: {  	s12 =	rddreg [dreg:$0x5];
	[sflag:s8] =	ssyncadd.s32 $0xFFFFC000  }
0x85: {  	[hbm4b:s12+s4] =	stream.linear.scatter [tilespmem:s7], [sflag:$0x2], $0x4000, $0x38;
	[tilespmem:$0x179C0] =	vst v63  }
0x86: {  	_ =	swait.ge [sflag:s8], $0x4000  }
0x87: {  	[sflag:s8] =	ssyncset.done $0x0  }
0x88: {  	s18 =	rddreg [dreg:$0xd];
	[sflag:s8] =	ssyncadd.s32 $0xFFFFC000  }
0x89: {  	[tilespmem:s7], [sflag:$0x2] =	stream.linear.gather [spmem:s18], $0x4000, $0x38;
	[tilespmem:$0x179C0] =	vst v63  }
0x8a: {  	_ =	swait.ge [sflag:s8], $0x4000  }
0x8b: {  	[sflag:s8] =	ssyncset.done $0x0  }
0x8c: {  	s13 =	rddreg [dreg:$0x6];
	[sflag:s8] =	ssyncadd.s32 $0xFFFFC000  }
0x8d: {  	[hbm4b:s13+s4] =	stream.linear.scatter [tilespmem:s7], [sflag:$0x2], $0x4000, $0x38;
	[tilespmem:$0x179C0] =	vst v63  }
0x8e: {  	_ =	swait.ge [sflag:s8], $0x4000  }
0x8f: {  	[sflag:s8] =	ssyncset.done $0x0  }
0x90: {  	[sflag:s8] =	ssyncadd.s32 $0xFFFFC000  }
0x91: {  	[tilespmem:s7], [sflag:$0x2] =	stream.linear.gather [spmem:s19], $0x4000, $0x38;
	[tilespmem:$0x179C0] =	vst v63  }
0x92: {  	_ =	swait.ge [sflag:s8], $0x4000  }
0x93: {  	[sflag:s8] =	ssyncset.done $0x0  }
0x94: {  	s14 =	rddreg [dreg:$0x7];
	[sflag:s8] =	ssyncadd.s32 $0xFFFFC000  }
0x95: {  	[hbm4b:s14+s4] =	stream.linear.scatter [tilespmem:s7], [sflag:$0x2], $0x4000, $0x38;
	[tilespmem:$0x179C0] =	vst v63  }
0x96: {  	_ =	swait.ge [sflag:s8], $0x4000  }
0x97: {  	[sflag:s8] =	ssyncset.done $0x0  }
0x98: {  	[sflag:s8] =	ssyncadd.s32 $0xFFFFC000  }
0x99: {  	[tilespmem:s7], [sflag:$0x2] =	stream.linear.gather [spmem:s20], $0x4000, $0x38;
	[tilespmem:$0x179C0] =	vst v63  }
0x9a: {  	_ =	swait.ge [sflag:s8], $0x4000  }
0x9b: {  	[sflag:s8] =	ssyncset.done $0x0  }
0x9c: {  	s16 =	rddreg [dreg:$0x8];
	[sflag:s8] =	ssyncadd.s32 $0xFFFFC000  }
0x9d: {  	[hbm4b:s16+s4] =	stream.linear.scatter [tilespmem:s7], [sflag:$0x2], $0x4000, $0x38;
	[tilespmem:$0x179C0] =	vst v63  }
0x9e: {  	_ =	swait.ge [sflag:s8], $0x4000  }
0x9f: {  	[sflag:s8] =	ssyncset.done $0x0  }
0xa0: {  	[sflag:s8] =	ssyncadd.s32 $0xFFFFC000  }
0xa1: {  	[tilespmem:s7], [sflag:$0x2] =	stream.linear.gather [spmem:s21], $0x4000, $0x38;
	[tilespmem:$0x179C0] =	vst v63  }
0xa2: {  	_ =	swait.ge [sflag:s8], $0x4000  }
0xa3: {  	[sflag:s8] =	ssyncset.done $0x0  }
0xa4: {  	s18 =	rddreg [dreg:$0x9];
	[sflag:s8] =	ssyncadd.s32 $0xFFFFC000  }
0xa5: {  	[hbm4b:s18+s4] =	stream.linear.scatter [tilespmem:s7], [sflag:$0x2], $0x4000, $0x38;
	[tilespmem:$0x179C0] =	vst v63  }
0xa6: {  	_ =	swait.ge [sflag:s8], $0x4000  }
0xa7: {  	[sflag:s8] =	ssyncset.done $0x0  }
0xa8: {  	[sflag:s8] =	ssyncadd.s32 $0xFFFFC000  }
0xa9: {  	[tilespmem:s7], [sflag:$0x2] =	stream.linear.gather [spmem:s22], $0x4000, $0x38;
	[tilespmem:$0x179C0] =	vst v63  }
0xaa: {  	_ =	swait.ge [sflag:s8], $0x4000  }
0xab: {  	[sflag:s8] =	ssyncset.done $0x0  }
0xac: {  	s13 =	rddreg [dreg:$0xa];
	[sflag:s8] =	ssyncadd.s32 $0xFFFFC000  }
0xad: {  	[hbm4b:s13+s4] =	stream.linear.scatter [tilespmem:s7], [sflag:$0x2], $0x4000, $0x38;
	[tilespmem:$0x179C0] =	vst v63  }
0xae: {  	_ =	swait.ge [sflag:s8], $0x4000  }
0xaf: {  	[sflag:s8] =	ssyncset.done $0x0  }
0xb0: {  	[sflag:s8] =	ssyncadd.s32 $0xFFFFC000  }
0xb1: {  	[tilespmem:s7], [sflag:$0x2] =	stream.linear.gather [spmem:s23], $0x4000, $0x38;
	[tilespmem:$0x179C0] =	vst v63  }
0xb2: {  	_ =	swait.ge [sflag:s8], $0x4000  }
0xb3: {  	[sflag:s8] =	ssyncset.done $0x0  }
0xb4: {  	s14 =	rddreg [dreg:$0xb];
	[sflag:s8] =	ssyncadd.s32 $0xFFFFC000  }
0xb5: {  	[hbm4b:s14+s4] =	stream.linear.scatter [tilespmem:s7], [sflag:$0x2], $0x4000, $0x38;
	[tilespmem:$0x179C0] =	vst v63  }
0xb6: {  	_ =	swait.ge [sflag:s8], $0x4000  }
0xb7: {  	[sflag:s8] =	ssyncset.done $0x0  }
0xb8: {  	s16 =	rddreg [dreg:$0xc];
	[sflag:s8] =	ssyncadd.s32 $0xFFFFC000  }
0xb9: {  	[tilespmem:s7], [sflag:$0x2] =	stream.linear.gather [spmem:s16], $0x3400, $0x38;
	[tilespmem:$0x179C0] =	vst v63  }
0xba: {  	_ =	swait.ge [sflag:s8], $0x3400  }
0xbb: {  	[sflag:s8] =	ssyncset.done $0x0  }
.Ltmp4:
0xbc: {  	s18 =	rddreg [dreg:$0x4];
	[sflag:s8] =	ssyncadd.s32 $0xFFFFCC00;
	(pc) =	sbr.rel .LBB2_5-.Ltmp4, $4  }
0xbd: {  	[hbm4b:s18+s4] =	stream.linear.scatter [tilespmem:s7], [sflag:$0x2], $0x3400, $0x38;
	[tilespmem:$0x179C0] =	vst v63  }
0xbe: {  	_ =	swait.ge [sflag:s8], $0x3400  }
0xbf: {  	[sflag:s8] =	ssyncset.done $0x0  }
0xc0: {  	[sflag:s8] =	ssyncadd.s32 $0xFFFFCC00  }
.LBB2_6:
0xc1: {  	_ =	sfence.sel $0x180000  }
0xc2: {  	[bflag:$0x0] =	sbarrier.arrive $0xFFFF  }
0xc3: {  	_ =	strace $0x9000004A  }
0xc4: {  	s0 =	stileid.u32;
	[bflag:$0x2] =	sbarrier.arrive $0xFFFF  }
0xc5: {  	p0 =	sne.s32 s0, $0x0;
	s0 =	rddreg [dreg:$0x3]  }
0xc6: {  	s0 =	sadd.s32 @!p0 $0x100000, s0  }
0xc7: {  	[sflag:s0] =	ssyncadd.tile.s32 @!p0 $0x1;
	_ =	shalt  }
.Lfunc_end2:
_tile_overlayer_lowered:
.L_overlay_start_2:
0xc8: {  	(tag) =	ssettag $0x2  }
0xc9: {  	s0 =	rddreg [dreg:$0x0];
	s2 =	stileid.u32  }
0xca: {  	s1 =	rddreg [dreg:$0x1];
	p0 =	sne.s32 s2, $0x0  }
0xcb: {  	s3 =	rddreg [dreg:$0x2];
	[bflag:$0x3] =	sbarrier.arrive $0xFFFF;
	s2 =	simm.s32 @!p0 $0x1C02  }
0xcc: {  	[timem:s3], [sflag:s2] =	dma.local @!p0 [hbm:s0], s1  }
0xcd: {  	s0 =	simm.s32 @!p0 $0x2  }
0xce: {  	_ =	swait.ge @!p0 [sflag:s0], s1  }
0xcf: {  	s1 =	ssub.s32 @!p0 $0x0, s1;
	[sflag:s0] =	ssyncset.done @!p0 $0x0  }
0xd0: {  	[sflag:s0] =	ssyncadd.s32 @!p0 s1  }
0xd1: {  	[bflag:$0x3] =	sbarrier.arrive $0xFFFF  }
0xd2: {  	_ =	shalt  }

// kernel: scatter_offload_async_start
scs
__scs_entry_jumppad:
0x0: {  	(pc) =	sbr.rel $0x88, $3  }
0x1: {  	(tag) =	ssettag $0x0;
	lr =	simm.s32 $0x1  }
0x2: {  	[smem:$0x3F9D] =	sst lr;
	_ =	strace $0xD0000000  }
0x3: {  	_ = 	snop  }
0x4: {  	_ = 	snop  }
0x5: {  	_ = 	snop  }
0x6: {  	_ = 	snop  }
0x7: {  	_ = 	snop  }
__scs_overlays_trampoline_lowered:
0x8: {  	[smem:$0x3FAC] =	sst s0  }
0x9: {  	[smem:$0x3FAD] =	sst s1  }
0xa: {  	[smem:$0x3FAE] =	sst s2  }
0xb: {  	[smem:$0x3FAF] =	sst s3  }
0xc: {  	[smem:$0x3FB0] =	sst s4  }
0xd: {  	[smem:$0x3FB1] =	sst s5  }
0xe: {  	[smem:$0x3FB2] =	sst s6  }
0xf: {  	[smem:$0x3FB3] =	sst s7  }
0x10: {  	[smem:$0x3FB4] =	sst s8  }
0x11: {  	[smem:$0x3FB5] =	sst s9;
	s0 =	simm.s32 @!p0 $0x0  }
0x12: {  	s1 =	sld [smem:$0x3F9B];
	s0 =	simm.s32 @p0 $0x1  }
0x13: {  	[smem:$0x3FB6] =	sst s0;
	s0 =	simm.s32 @!p1 $0x0  }
0x14: {  	s2 =	sld [smem:$0x3F9A];
	s0 =	simm.s32 @p1 $0x1  }
0x15: {  	[smem:$0x3FB7] =	sst s0;
	s0 =	simm.s32 @!p2 $0x0  }
0x16: {  	s3 =	sld [smem:$0x3FDB];
	s0 =	simm.s32 @p2 $0x1  }
0x17: {  	s4 =	simm.s32 $0x1BF5;
	[smem:$0x3FB9] =	sst s0  }
0x18: {  	s0 =	sld [smem:$0x3F9C];
	_ =	swait.ge [sflag:s4], $0x0  }
0x19: {  	s7 =	sld [smem:$0x3F9D]  }
0x1a: {  	s8 =	sadd.s32 $0xFFFFE003, lr  }
0x1b: {  	s9 =	sadd.s32 $0xFFFFFEF7, lr;
	s5 =	simm.s32 $0xFFFFFFFF;
	p2 =	slt.u32 s8, $0xFFFFF086  }
0x1c: {  	p1 =	slt.u32 s9, $0xF7A;
	s5 =	simm.s32 @!p2 $0x0  }
0x1d: {  	s5 =	simm.s32 @p1 $0x1;
	p0 =	seq.s32 s7, s2  }
0x1e: {  	s7 =	smul.u32 @!p0 $0xF7A, s2;
	p2 =	seq.s32 @!p0 s5, $0x0  }
0x1f: {  	s9 =	smul.u32 $0xF7A, s1;
	s8 =	simm.s32 @!p0 $0x1BF5;
	p2 =	por !p2, p0  }
0x20: {  	[sflag:s8] =	ssyncset.s32 @!p0 $0xFFFFF086;
	s6 =	sadd.s32 @!p0 s3, s7;
	s7 =	simm.s32 @!p0 $0x108  }
0x21: {  	s3 =	sadd.s32 s3, s9;
	s6 =	sadd.s32 @!p0 $0x88, s6;
	s7 =	simm.s32 @p2 $0x1082  }
0x22: {  	[simem:s7], [sflag:s8] =	dma.local @!p0 [hbm:s6], $0xF7A  }
0x23: {  	s9 =	sor.u32 $0xD0000000, s2;
	s6 =	simm.s32 $0x108;
	_ =	swait.ge @!p0 [sflag:s8], $0x0  }
0x24: {  	s3 =	sadd.s32 $0x88, s3;
	s6 =	simm.s32 @!p1 $0x1082;
	[sflag:s4] =	ssyncset.s32 $0xFFFFF086  }
0x25: {  	[simem:s6], [sflag:s4] =	dma.local [hbm:s3], $0xF7A  }
0x26: {  	[smem:$0x3F9D] =	sst s1;
	(tag) =	ssettag s2;
	_ =	strace s9  }
0x27: {  	s1 =	sld [smem:$0x3FAD]  }
0x28: {  	s2 =	sld [smem:$0x3FAE]  }
0x29: {  	s4 =	sld [smem:$0x3FB0]  }
0x2a: {  	p0 =	seq.s32 s5, $0x0;
	s5 =	sld [smem:$0x3FB1]  }
0x2b: {  	s6 =	sld [smem:$0x3FB2]  }
0x2c: {  	s7 =	sld [smem:$0x3FB3]  }
0x2d: {  	s3 =	simm.s32 $0x108;
	s8 =	sld [smem:$0x3FB4]  }
0x2e: {  	s3 =	simm.s32 @!p0 $0x1082;
	s9 =	sld [smem:$0x3FB5]  }
0x2f: {  	lr =	sadd.s32 s0, s3;
	s0 =	sld [smem:$0x3FAC]  }
0x30: {  	s3 =	sld [smem:$0x3FAF]  }
0x31: {  	[smem:$0x3FB8] =	sst s10  }
0x32: {  	s10 =	sld [smem:$0x3FB6];
	_ =	sdelay $0x3  }
0x33: {  	p0 =	seq.s32 s10, $0x1;
	s10 =	sld [smem:$0x3FB8];
	_ =	sdelay $0x3  }
0x34: {  	[smem:$0x3FB8] =	sst s10  }
0x35: {  	s10 =	sld [smem:$0x3FB7];
	_ =	sdelay $0x3  }
0x36: {  	p1 =	seq.s32 s10, $0x1;
	s10 =	sld [smem:$0x3FB8];
	_ =	sdelay $0x3  }
0x37: {  	[smem:$0x3FB8] =	sst s10  }
0x38: {  	s10 =	sld [smem:$0x3FB9]  }
0x39: {  	_ = 	snop;
	(pc) =	sbr.ind lr, $3  }
0x3a: {  	_ = 	snop  }
0x3b: {  	_ = 	snop  }
0x3c: {  	p2 =	seq.s32 s10, $0x1;
	s10 =	sld [smem:$0x3FB8]  }
0x3d: {  	_ =	shalt  }
0x3e: {  	_ =	shalt  }
0x3f: {  	_ =	shalt  }
0x40: {  	_ =	shalt  }
0x41: {  	_ =	shalt  }
0x42: {  	_ =	shalt  }
0x43: {  	_ =	shalt  }
0x44: {  	_ =	shalt  }
0x45: {  	_ =	shalt  }
0x46: {  	_ =	shalt  }
0x47: {  	_ =	shalt  }
0x48: {  	_ =	shalt  }
0x49: {  	_ =	shalt  }
0x4a: {  	_ =	shalt  }
0x4b: {  	_ =	shalt  }
0x4c: {  	_ =	shalt  }
0x4d: {  	_ =	shalt  }
0x4e: {  	_ =	shalt  }
0x4f: {  	_ =	shalt  }
0x50: {  	_ =	shalt  }
0x51: {  	_ =	shalt  }
0x52: {  	_ =	shalt  }
0x53: {  	_ =	shalt  }
0x54: {  	_ =	shalt  }
0x55: {  	_ =	shalt  }
0x56: {  	_ =	shalt  }
0x57: {  	_ =	shalt  }
0x58: {  	_ =	shalt  }
0x59: {  	_ =	shalt  }
0x5a: {  	_ =	shalt  }
0x5b: {  	_ =	shalt  }
0x5c: {  	_ =	shalt  }
0x5d: {  	_ =	shalt  }
0x5e: {  	_ =	shalt  }
0x5f: {  	_ =	shalt  }
0x60: {  	_ =	shalt  }
0x61: {  	_ =	shalt  }
0x62: {  	_ =	shalt  }
0x63: {  	_ =	shalt  }
0x64: {  	_ =	shalt  }
0x65: {  	_ =	shalt  }
0x66: {  	_ =	shalt  }
0x67: {  	_ =	shalt  }
0x68: {  	_ =	shalt  }
0x69: {  	_ =	shalt  }
0x6a: {  	_ =	shalt  }
0x6b: {  	_ =	shalt  }
0x6c: {  	_ =	shalt  }
0x6d: {  	_ =	shalt  }
0x6e: {  	_ =	shalt  }
0x6f: {  	_ =	shalt  }
0x70: {  	_ =	shalt  }
0x71: {  	_ =	shalt  }
0x72: {  	_ =	shalt  }
0x73: {  	_ =	shalt  }
0x74: {  	_ =	shalt  }
0x75: {  	_ =	shalt  }
0x76: {  	_ =	shalt  }
0x77: {  	_ =	shalt  }
0x78: {  	_ =	shalt  }
0x79: {  	_ =	shalt  }
0x7a: {  	_ =	shalt  }
0x7b: {  	_ =	shalt  }
0x7c: {  	_ =	shalt  }
0x7d: {  	_ =	shalt  }
0x7e: {  	_ =	shalt  }
0x7f: {  	_ =	shalt  }
0x80: {  	_ =	shalt  }
0x81: {  	_ =	shalt  }
0x82: {  	_ =	shalt  }
0x83: {  	_ =	shalt  }
0x84: {  	_ =	shalt  }
0x85: {  	_ =	shalt  }
0x86: {  	_ =	shalt  }
0x87: {  	_ =	shalt  }
.Lfunc_end0:
.L_simem_size_0:
called_computation_lowered:
.L_overlay_start_0:
0x88: {  	s0 =	sld [smem:$0x3FD9]  }
0x89: {  	s1 =	sld [smem:$0x3FFE];
	_ =	sdelay $0x3  }
0x8a: {  	s0 =	sadd.s32 s1, s0  }
0x8b: {  	[smem:$0x3FC4] =	sst s0  }
0x8c: {  	_ = 	snop  }
0x8d: {  	(tm) =	ssettm $0x1  }
0x8e: {  	s15 =	sld [smem:$0x3FFB];
	_ =	sdelay $0x3  }
0x8f: {  	_ =	strace s15  }
0x90: {  	s0 =	sld [smem:$0x3FFC];
	_ =	sdelay $0x3  }
0x91: {  	_ =	strace s0  }
0x92: {  	s0 =	sld [smem:$0x3FFD];
	_ =	sdelay $0x3  }
0x93: {  	_ =	strace s0  }
0x94: {  	_ =	strace $0x8FFFFFFF  }
0x95: {  	s16 =	sld [smem:$0x3FDB];
	_ =	sdelay $0x1  }
0x96: {  	s17 =	simm.s32 $_scs_section_size  }
0x97: {  	s2 =	simm.s32 $_size__tile_overlayer_lowered;
	s3 =	simm.s32 $_tile_overlayer_lowered  }
0x98: {  	s20 =	simm.s32 $0x1BFF;
	s19 =	sshll.u32 s3, $0x1;
	s0 =	sadd.s32 s17, s16  }
0x99: {  	s4 =	simm.s32 $0x0;
	s18 =	sshll.u32 s2, $0x1;
	s2 =	sadd.s32 s19, s0  }
0x9a: {  	[timem:s4], [sflag:s20] =	dma.local [hbm:s2], s18  }
0x9b: {  	_ =	swait.ge [sflag:s20], s18  }
0x9c: {  	s1 =	ssub.s32 $0x0, s18;
	[sflag:s20] =	ssyncset.done $0x0  }
0x9d: {  	[sflag:s20] =	ssyncadd.s32 s1;
	_ =	sdelay $0x1  }
0x9e: {  	s21 =	simm.s32 $0x1B8B  }
0x9f: {  	_ =	swait.ge [sflag:s21], $0x1  }
0xa0: {  	[sflag:s21] =	ssyncset.done $0x0  }
0xa1: {  	s23 =	simm.s32 $0x1B8E;
	s22 =	sld [smem:$0x3FFE];
	[sflag:s21] =	ssyncadd.s32 $0xFFFFFFFF  }
0xa2: {  	s24 =	simm.s32 $execute0_lowered;
	[smem:$0x3FD2] =	sst s23  }
0xa3: {  	s2 =	sshll.u32 s24, $0x1;
	_ =	strace $0x80000046;
	[dreg:$0x1] =	wrdreg $0xFFFFFFFF  }
0xa4: {  	s25 =	simm.s32 $_size_execute0_lowered;
	s0 =	sadd.s32 s0, s2;
	[dreg:$0x0] =	wrdreg $0x0  }
0xa5: {  	s2 =	sshll.u32 s25, $0x1;
	[dreg:$0x2] =	wrdreg s0  }
0xa6: {  	[dreg:$0x3] =	wrdreg s2  }
0xa7: {  	[dreg:$0x4] =	wrdreg $0xC0  }
0xa8: {  	_ =	task [dreg:s4], $0x5FFFF  }
0xa9: {  	[dreg:$0x1] =	wrdreg $0xFFFFFFFF  }
0xaa: {  	[dreg:$0x0] =	wrdreg $0x60  }
0xab: {  	[dreg:$0x2] =	wrdreg s22  }
0xac: {  	[dreg:$0x3] =	wrdreg $0x9  }
0xad: {  	_ =	task.clear_ibuf [dreg:s4], $0x4FFFF;
	_ =	strace $0x90000046  }
0xae: {  	s26 =	simm.s32 $0x9;
	_ =	strace $0x80000048  }
0xaf: {  	_ =	swait.ge [sflag:s26], $0x1  }
0xb0: {  	[sflag:s26] =	ssyncadd.s32 $0xFFFFFFFF  }
0xb1: {  	_ =	strace $0x90000048  }
0xb2: {  	_ =	sfence  }
0xb3: {  	s28 =	sld [smem:$0x0];
	_ =	sdelay $0x1  }
0xb4: {  	s29 =	srdreg.scid  }
0xb5: {  	s30 =	sshll.u32 s29, $0xD;
	s31 =	sshrl.u32 s29, $0x2  }
0xb6: {  	s1 =	sand.u32 $0x1, s29;
	s2 =	sand.u32 $0x4000, s30;
	s0 =	sadd.s32 s31, s28  }
0xb7: {  	s1 =	sor.u32 s2, s1;
	s0 =	sshll.u32 s0, $0x11  }
0xb8: {  	s0 =	sor.u32 s0, s1  }
0xb9: {  	s0 =	sadd.s32 $0x8F2B, s0  }
0xba: {  	[sflag:s0] =	ssyncadd.remote.s32 $0x1  }
0xbb: {  	_ =	sfence.sel $0xFFFF  }
0xbc: {  	[dreg:$0x0] =	wrdreg $0xFFFFFFFF;
	(pc) =	sbr.abs _section_cstart, $3  }
0xbd: {  	[dreg:$0x1] =	wrdreg $0xFFFFFFFF  }
0xbe: {  	_ =	task.clear_ibuf [dreg:s4], $0x2FFFF;
	_ =	strace $0x9FFFFFFF  }
0xbf: {  	(tm) =	ssettm $0x7FFFFFFF  }
tec
execute0_lowered:
.L_overlay_start_1:
0x0: {  	(tag) =	ssettag $0x1  }
0x1: {  	s3 =	rddreg [dreg:$0x0];
	_ =	strace $0x80000047;
	s15 =	stileid.u32  }
0x2: {  	s0 =	simm.s32 $0x1;
	s1 =	smin.u32 s15, $0x8;
	s4 =	sshll.u32 s15, $0x1  }
0x3: {  	v1 =	vimm.s32 $0xFFFFFFFF;
	[sflag:s0] =	ssyncpa.u1 $0x0;
	s1 =	sadd.s32 s1, s4  }
0x4: {  	p0 =	slt.u32 s15, $0x8;
	[tilespmem:$0x10] =	vst v1;
	s5 =	smul.u32 $0x1F40, s1;
	s1 =	simm.s32 $0x5DC0  }
0x5: {  	v0 =	vimm.f32 $0.0e+00;
	[tilespmem:$0x20] =	vst v1;
	s1 =	simm.s32 @!p0 $0x3E80  }
0x6: {  	[tilespmem:$0x30] =	vst v0;
	s1 =	sadd.s32 s1, s5  }
0x7: {  	[tilespmem:$0x40] =	vst v0;
	s6 =	smin.u32 s1, $0x4E200  }
0x8: {  	s7 =	simm.s32 $0x2;
	[tilespmem:$0x50] =	vst v0;
	s2 =	ssub.s32 s6, s5  }
0x9: {  	s8 =	simm.s32 $0x8;
	s31 =	simm.s32 $0x9;
	[tilespmem:$0x60] =	vst v1;
	p0 =	sgt.s32 s2, $0x0  }
0xa: {  	s16 =	simm.s32 $0x0;
	s17 =	simm.s32 $0xF0;
	[tilespmem:$0x70] =	vst v1;
	s2 =	simm.s32 @!p0 $0x0  }
0xb: {  	s18 =	simm.s32 $0xFFFFFFFF;
	s19 =	simm.s32 $0xFFFFC280;
	[tilespmem:$0x80] =	vst v1;
	s30 =	smulhi.u32 $0x10624DD3, s2  }
0xc: {  	s20 =	simm.s32 $0xFFFFFFFE;
	s21 =	simm.s32 $0xF;
	s25 =	simm.s32 $0x0;
	v1 =	vimm.s32 $0x0;
	[tilespmem:$0xB0] =	vst v0  }
0xd: {  	s24 =	simm.s32 $0x0;
	s15 =	sshllo.u32 s15, $0x1;
	[tilespmem:$0x90] =	vst v1;
	s10 =	sshrl.u32 s30, $0x9  }
0xe: {  	[tilespmem:$0xA0] =	vst v1;
	[sflag:s7] =	ssyncpa.u1 $0x0;
	s7 =	simm.s32 $0x7;
	s9 =	smul.u32 $0x1F40, s10  }
.Ltmp0:
0xf: {  	s13 =	sor.u32 $0x80, s4;
	[sflag:s7] =	ssyncpa.u1 $0x0;
	(pc) =	sbr.rel .LBB2_1-.Ltmp0, $4  }
0x10: {  	s14 =	sor.u32 $0x81, s4;
	[sflag:s8] =	ssyncpa.u1 $0x0;
	p0 =	sne.s32 s2, s9  }
0x11: {  	s23 =	smov.u32 s5;
	s1 =	sadd.s32 $0x27800, s3;
	s0 =	simm.s32 @!p0 $0x0  }
0x12: {  	vm0 =	vmmov $0xffff;
	v2 =	vlaneseq.u32;
	[sflag:s31] =	ssyncpa.u1 $0x0;
	s9 =	sadd.s32 $0x9E00, s3;
	s10 =	sadd.s32 s0, s10  }
0x13: {  	vm1 =	vmxor vm1, vm1;
	vm2 =	vmmov $0x1;
	vm3 =	vcmask $0x3F3C;
	p0 =	por $0x0, $0x0;
	s11 =	sadd.s32 $0x1, s10;
	s12 =	sadd.s32 $0x2, s10  }
.LBB2_9:
0x14: {  	p1 =	slt.u32 s24, $0x3  }
0x15: {  	s0 =	simm.s32 @!p1 $0x2  }
0x16: {  	_ =	swait.ge @!p1 [sflag:s0], $0x1F40  }
0x17: {  	[sflag:s0] =	ssyncset.done @!p1 $0x0  }
0x18: {  	[sflag:s0] =	ssyncadd.s32 @!p1 $0xFFFFE0C0;
	s0 =	simm.s32 @!p1 $0x9  }
0x19: {  	_ =	swait.ge @!p1 [sflag:s0], $0x10  }
0x1a: {  	[sflag:s0] =	ssyncset.done @!p1 $0x0  }
0x1b: {  	[sflag:s0] =	ssyncadd.s32 @!p1 $0xFFFFFFF0;
	p1 =	sne.s32 s24, s12  }
.Ltmp1:
0x1c: {  	s2 =	sadd.s32 $0x1F40, s23;
	(pc) =	sbr.rel @!p1 .LBB2_10-.Ltmp1, $4  }
0x1d: {  	s22 =	smov.u32 s5;
	s31 =	sadd.s32 $0x1, s24;
	s17 =	sadd.s32 $0x1F40, s17  }
0x1e: {  	s18 =	sadd.s32 $0x1, s18;
	s25 =	smov.u32 s23;
	p2 =	slt.s32 s2, s6  }
0x1f: {  	p0 =	por !p0, !p0;
	s19 =	sadd.s32 $0x1F40, s19;
	s22 =	smov.u32 @p2 s2  }
0x20: {  	s20 =	sadd.s32 $0x1, s20;
	s23 =	smov.u32 s22;
	s24 =	smov.u32 s31  }
.LBB2_1:
0x21: {  	p1 =	sge.u32 s24, s10  }
0x22: {  	s0 =	smulhi.u32 @!p1 $0xAAAAAAAB, s24;
	_ =	sdelay $0x1  }
0x23: {  	s0 =	sshrl.u32 @!p1 s0, $0x1  }
0x24: {  	s0 =	smul.u32 @!p1 $0x3, s0;
	_ =	sdelay $0x1  }
0x25: {  	s0 =	ssub.s32 @!p1 s24, s0  }
0x26: {  	s0 =	smul.u32 @!p1 $0x7D00, s0;
	_ =	sdelay $0x1  }
0x27: {  	s2 =	sshrl.u32 @!p1 s23, $0x3;
	s0 =	sshrl.u32 @!p1 s0, $0x2  }
0x28: {  	s22 =	sand.u32 @!p1 $0x7, s23;
	s2 =	sadd.s32 @!p1 s3, s2;
	s0 =	sadd.s32 @!p1 $0x100, s0  }
0x29: {  	[tilespmem:s0], [sflag:$0x7] =	stream.linear.gather @!p1 [hbm4b:s2+s22], $0x1F40, $0x38;
	[tilespmem:$0x11A60] =	vst v63  }
0x2a: {  	s0 =	sadd.s32 $0xFFFFFFFF, s24  }
0x2b: {  	p1 =	sge.u32 s0, s10  }
.Ltmp2:
0x2c: {  	_ = 	snop;
	(pc) =	sbr.rel @p1 .LBB2_5-.Ltmp2, $1  }
0x2d: {  	_ =	sdelay $0x3  }
0x2e: {  	s2 =	smulhi.u32 $0xAAAAAAAB, s0;
	_ =	sdelay $0x1  }
0x2f: {  	s2 =	sshrl.u32 s2, $0x1  }
0x30: {  	s2 =	smul.u32 $0x3, s2;
	_ =	sdelay $0x1  }
0x31: {  	s2 =	ssub.s32 s0, s2  }
0x32: {  	s2 =	smul.u32 $0x7D00, s2  }
0x33: {  	_ =	swait.ge [sflag:s7], $0x1F40  }
0x34: {  	[sflag:s7] =	ssyncset.done $0x0;
	s2 =	sshrl.u32 s2, $0x2  }
0x35: {  	[sflag:s7] =	ssyncadd.s32 $0xFFFFE0C0;
	(ifvalue) =	ssetifvalue $0xFFFFFFFF;
	v3 =	vld.msk [tilespmem:s2+$0x100 ss:$0x1], $0xffff;
	_ =	sdelay $0x2  }
0x36: {  	s30 =	smulhi.u32 $0xAAAAAAAB, s18;
	p1 =	sne.s32 s24, $0x1  }
0x37: {  	v4 =	vimm.s32 @!p1 $0x0  }
0x38: {  	s2 =	sshrl.u32 s30, $0x1;
	v4 =	vperm.xlane @!p1 v3, v4  }
0x39: {  	s22 =	sshll.u32 s24, $0x4;
	s2 =	smul.u32 $0xFFFE8900, s2;
	vm4 =	vlt.u32 v3, $0x2800  }
0x3a: {  	s22 =	sand.u32 $0x10, s22;
	v3 =	vnsel vm4, $0xFFFFFFFE, v3;
	vm4 =	vlt.u32 @!p1 v4, $0x2800  }
0x3b: {  	s2 =	sshra.s32 s2, $0x2;
	[tilespmem:s22+$0x60] =	vst v3;
	v3 =	vnsel @!p1 vm4, $0xFFFFFFFE, v4  }
0x3c: {  	s28 =	sadd.s32 s2, s17;
	[tilespmem:$0x80] =	vst @!p1 v3  }
0x3d: {  	v3 =	vld.msk [tilespmem:s28+$0x0 ss:$0x1], $0xffff;
	_ =	sdelay $0x4  }
0x3e: {  	(xrf1) =	vunique.msk.u32 $0xffff, v3;
	_ =	sdelay $0xd  }
0x3f: {  	v4 =	vimm.s32 $0xFFFFFFFF;
	v5, _, _ =	vpop (xrf1)  }
0x40: {  	vm5 =	vne.s32 v3, v4;
	vm4 =	veq.s32 v5, v2  }
0x41: {  	vm6 =	vlt.u32 v3, $0x2800;
	vm4 =	vmand vm5, vm4  }
0x42: {  	vm4 =	vmand vm6, vm4  }
0x43: {  	v4 =	vnsel vm4, $0xFFFFFFFF, v3  }
0x44: {  	s31 =	sand.u32 $0x1, s0  }
0x45: {  	s0 =	simm.s32 $0x1F40;
	p1 =	seq.s32 s31, $0x1  }
0x46: {  	s0 =	simm.s32 @!p1 $0x0  }
0x47: {  	s26 =	sadd.s32 $0x7DF0, s0;
	(ifvalue) =	ssetifvalue $0xFFFFFFFF  }
0x48: {  	v3 =	vperm.xlane v3, v1;
	[tilespmem:s26], [sflag:$0x8] =	stream.indirect_vreg.gather [hbm4b:s1+s16], $0x1, v4, vm0, $0x4038;
	v4 =	vnsel vm6, $0xFFFFFFFE, v4;
	[tilespmem:$0x11A60] =	vst v63  }
0x49: {  	s2 =	simm.s32 $0x0;
	s22 =	sadd.s32 $0xFFFFFFF0, s28;
	[tilespmem:s28+$0x0] =	vst v4  }
.LBB2_3:
0x4a: {  	v4 =	vld.msk [tilespmem:s22+$0x0 ss:$0x1], $0xffff;
	s2 =	sadd.s32 $0x10, s2;
	v5 =	vmov v3;
	s28 =	smov.u32 s22  }
0x4b: {  	p1 =	slt.u32 s2, $0x1F30;
	_ =	sdelay $0x4  }
0x4c: {  	v3 =	vperm.xlane v4, v1;
	(xrf1) =	vunique.msk.u32 $0xffff, v4;
	_ =	sdelay $0xd  }
0x4d: {  	v6, _, _ =	vpop (xrf1)  }
0x4e: {  	vm5 =	vne.s32 v4, v5;
	vm4 =	veq.s32 v6, v2  }
0x4f: {  	vm6 =	vlt.u32 v4, $0x2800;
	vm4 =	vmand vm5, vm4  }
0x50: {  	vm4 =	vmand vm6, vm4  }
0x51: {  	v4 =	vnsel vm4, $0xFFFFFFFF, v4  }
.Ltmp3:
0x52: {  	v5 =	vnsel vm6, $0xFFFFFFFE, v4;
	(pc) =	sbr.rel @p1 .LBB2_3-.Ltmp3, $3  }
0x53: {  	_ =	sdelay $0x1  }
0x54: {  	s22 =	sadd.s32 $0xFFFFFFF0, s22;
	s26 =	sadd.s32 $0xFFFFFFF0, s26;
	(ifvalue) =	ssetifvalue $0xFFFFFFFF  }
0x55: {  	[tilespmem:s26], [sflag:$0x8] =	stream.indirect_vreg.gather [hbm4b:s1+s16], $0x1, v4, vm0, $0x4038;
	[tilespmem:s28+$0x0] =	vst v5  }
0x56: {  	s2 =	sshrl.u32 s25, $0x3  }
0x57: {  	s0 =	sadd.s32 $0x9D40, s0;
	s2 =	sadd.s32 s9, s2  }
0x58: {  	[tilespmem:s0], [sflag:$0x8] =	stream.linear.gather [hbm:s2], $0x1F40, $0x38;
	[tilespmem:$0x11A60] =	vst v63  }
.LBB2_5:
0x59: {  	p1 =	slt.u32 s24, $0x2  }
0x5a: {  	p2 =	sge.u32 @!p1 s24, s12  }
0x5b: {  	p1 =	por p1, p2  }
.Ltmp4:
0x5c: {  	_ = 	snop;
	(pc) =	sbr.rel @p1 .LBB2_9-.Ltmp4, $1  }
0x5d: {  	_ =	sdelay $0x3  }
0x5e: {  	s0 =	sadd.s32 $0xFFFFFFFE, s24  }
0x5f: {  	s2 =	smulhi.u32 $0xAAAAAAAB, s0;
	_ =	sdelay $0x1  }
0x60: {  	s2 =	sshrl.u32 s2, $0x1  }
0x61: {  	s2 =	smul.u32 $0x3, s2;
	_ =	sdelay $0x1  }
0x62: {  	s0 =	ssub.s32 s0, s2  }
0x63: {  	_ =	swait.ge [sflag:s8], $0x3E80;
	s0 =	smul.u32 $0x1F40, s0  }
0x64: {  	p1 =	sne.s32 s24, s11;
	[sflag:s8] =	ssyncset.done $0x0  }
0x65: {  	[sflag:s8] =	ssyncadd.s32 $0xFFFFC180;
	s2 =	sadd.s32 @!p1 $0x203F, s0  }
0x66: {  	[spmem:s14] =	stream.linear.scatter @!p1 [tilespmem:s2], [sflag:$0x1], $0x1, $0x38;
	[tilespmem:$0x11A60] =	vst v63  }
0x67: {  	s2 =	simm.s32 @!p1 $0x1  }
0x68: {  	_ =	swait.ge @!p1 [sflag:s2], $0x1  }
0x69: {  	s22 =	sshll.u32 s24, $0x4;
	[sflag:s2] =	ssyncset.done @!p1 $0x0  }
0x6a: {  	s25 =	sand.u32 $0x10, s22;
	[sflag:s2] =	ssyncadd.s32 @!p1 $0xFFFFFFFF  }
0x6b: {  	s2 =	sxor.u32 $0x10, s25;
	v4 =	vld [tilespmem:s25+$0x10]  }
0x6c: {  	v5 =	vld [tilespmem:s2+$0x60]  }
0x6d: {  	v3 =	vld [tilespmem:$0x80];
	_ =	sdelay $0x2  }
0x6e: {  	(v2sf) =	vpush v4, $0x0  }
0x6f: {  	(v2sf) =	vpush v5, $0x0  }
0x70: {  	(v2sf) =	vpush v3, $0x0;
	_ =	sdelay $0xc  }
0x71: {  	s22 =	spop (v2sf)  }
0x72: {  	s26 =	spop (v2sf)  }
0x73: {  	s28 =	spop (v2sf)  }
0x74: {  	p2 =	seq.s32 s22, s26;
	p3 =	seq.s32 s28, s22  }
0x75: {  	p3 =	por p2, p3  }
0x76: {  	s26 =	sand.u32 $0x1, s24;
	v4 =	vpsel p3, $0xFFFFFFFF, v4  }
0x77: {  	s29 =	smul.u32 $0x1F40, s26;
	[tilespmem:s25+$0x10] =	vst.msk $0x1, v4  }
0x78: {  	v4 =	vld [tilespmem:$0x30]  }
0x79: {  	v5 =	vld [tilespmem:s29+$0x9D40]  }
0x7a: {  	v6 =	vld [tilespmem:s25+$0x40];
	_ =	sdelay $0x3  }
0x7b: {  	vm4 =	vmmov vm1;
	v5 =	vadd.f32 v5, v4  }
0x7c: {  	vm5 =	vmmov vm2;
	vm4 =	vmmov @p2 vm2;
	s22 =	sshll.u32 s26, $0x4;
	v4 =	vadd.f32 v6, v4  }
0x7d: {  	s26 =	sor.u32 $0x11A40, s22;
	vm5 =	vmmov @p3 vm1;
	[tilespmem:s29+$0x9D40] =	vst.msk vm4, v5  }
0x7e: {  	[tilespmem:s26+$0x0] =	vst.msk vm5, v4  }
0x7f: {  	v4 =	vld [tilespmem:s29+$0x7DF0];
	_ =	sdelay $0x3  }
0x80: {  	v5 =	vimm.f32 $0.0e+00  }
0x81: {  	v4 =	vshift.insert v4, v5, s21  }
0x82: {  	s22 =	sor.u32 $0x40, s2  }
0x83: {  	[tilespmem:s22+$0x0] =	vst.msk $0x1, v4  }
0x84: {  	[tilespmem:s29+$0x7DFF] =	vst.msk $0x1, v5  }
0x85: {  	v4 =	vld [tilespmem:s0+$0x2030];
	_ =	sdelay $0x1  }
0x86: {  	s22 =	smulhi.u32 $0xAAAAAAAB, s20;
	s0 =	simm.s32 $0x1  }
0x87: {  	s0 =	simm.s32 @!p0 $0x0  }
0x88: {  	s22 =	sshrl.u32 s22, $0x1;
	s0 =	smul.u32 $0x7D00, s0  }
0x89: {  	s22 =	smul.u32 $0xFFFE8900, s22;
	v4 =	vshift.insert v4, v1, s21  }
0x8a: {  	s0 =	sshrl.u32 s0, $0x2  }
0x8b: {  	s22 =	sshra.s32 s22, $0x2;
	s30 =	sadd.s32 $0x9D40, s0;
	[tilespmem:s2+$0x10] =	vst.msk $0x1, v4  }
0x8c: {  	s22 =	sadd.s32 s22, s19;
	v6 =	vld [tilespmem:s30+$0x0]  }
0x8d: {  	v7 =	vld [tilespmem:s22+$0x0];
	_ =	sdelay $0x3  }
0x8e: {  	v5 =	vadd.f32 v6, v5  }
0x8f: {  	vm4 =	vne.s32 v7, $0xFFFFFFFF  }
0x90: {  	(xrf2) =	vadd.seg.scan.f32 vm4, v5;
	_ =	sdelay $0x3  }
0x91: {  	s31 =	sadd.s32 $0x5EC0, s0;
	v5 =	vperm.xlane v4, v1  }
0x92: {  	v6 =	vld [tilespmem:s31+$0x0]  }
0x93: {  	vm5 =	veq.s32 v7, v3;
	vm6 =	veq.s32 v7, v5  }
0x94: {  	vm7 =	vgt.u32 v7, $0xFFFFFFFD;
	vm6 =	vmor vm6, vm5  }
0x95: {  	vm6 =	vmor vm6, vm7  }
0x96: {  	v9 =	vld [tilespmem:$0xA0];
	v7 =	vsel vm6, $0xFFFFFFFF, v7  }
0x97: {  	v10 =	vld [tilespmem:$0x90];
	v6 =	vsel vm5, $0x0, v6;
	v8, _, _ =	vpop (xrf2)  }
0x98: {  	v6 =	vadd.f32 v8, v6  }
0x99: {  	s0 =	sadd.s32 $0xDBC0, s0  }
0x9a: {  	vm4 =	vmand vm4, vm3;
	[tilespmem:s0+$0x0] =	vst v6;
	(ifvalue) =	ssetifvalue $0xFFFFFFFF  }
0x9b: {  	vm6 =	veq.s32 v9, $0x1;
	[hbm4b:s1+s16] =	stream.indirect_vreg.scatter [tilespmem:s0], [sflag:$0x2], $0x1, v7, vm0, $0x4038;
	v7 =	vsel vm4, $0x0, v8;
	[tilespmem:$0x11A60] =	vst v63  }
0x9c: {  	s2 =	simm.s32 $0x0;
	s22 =	sadd.s32 $0x10, s22;
	vm4 =	vmor vm6, vm5;
	v6 =	vsel vm5, v8, v10;
	v7 =	vshift.insert v7, v0, s21  }
.LBB2_7:
0x9d: {  	v8 =	vld [tilespmem:s22+$0x0];
	s30 =	sadd.s32 $0x10, s30  }
0x9e: {  	s31 =	sadd.s32 $0x10, s31;
	v9 =	vld [tilespmem:s30+$0x0]  }
0x9f: {  	s2 =	sadd.s32 $0x10, s2;
	v10 =	vld [tilespmem:s31+$0x0]  }
0xa0: {  	p2 =	slt.u32 s2, $0x1F30;
	_ =	sdelay $0x2  }
0xa1: {  	v7 =	vadd.f32 v9, v7  }
0xa2: {  	vm5 =	vne.s32 v8, $0xFFFFFFFF  }
0xa3: {  	vm6 =	vmand vm5, vm3;
	(xrf2) =	vadd.seg.scan.f32 vm5, v7;
	_ =	sdelay $0x5  }
0xa4: {  	vm7 =	veq.s32 v8, v5;
	vm5 =	veq.s32 v8, v3  }
0xa5: {  	vm8 =	vgt.u32 v8, $0xFFFFFFFD;
	vm4 =	vmor vm4, vm5;
	vm7 =	vmor vm7, vm5  }
0xa6: {  	vm7 =	vmor vm7, vm8  }
0xa7: {  	v8 =	vsel vm7, $0xFFFFFFFF, v8  }
.Ltmp5:
0xa8: {  	v7 =	vsel vm5, $0x0, v10;
	v9, _, _ =	vpop (xrf2);
	(pc) =	sbr.rel @p2 .LBB2_7-.Ltmp5, $4  }
0xa9: {  	v6 =	vsel vm5, v9, v6;
	v10 =	vadd.f32 v9, v7;
	v7 =	vsel vm6, $0x0, v9  }
0xaa: {  	s0 =	sadd.s32 $0x10, s0;
	v7 =	vshift.insert v7, v0, s21  }
0xab: {  	s22 =	sadd.s32 $0x10, s22;
	[tilespmem:s0+$0x0] =	vst v10;
	(ifvalue) =	ssetifvalue $0xFFFFFFFF  }
0xac: {  	[hbm4b:s1+s16] =	stream.indirect_vreg.scatter [tilespmem:s0], [sflag:$0x2], $0x1, v8, vm0, $0x4038;
	[tilespmem:$0x11A60] =	vst v63  }
0xad: {  	v3 =	vld [tilespmem:s29+$0xFAF0];
	_ =	sdelay $0x4  }
0xae: {  	v3 =	vshift.insert v3, v0, s21  }
0xaf: {  	s0 =	simm.s32 $0x30  }
0xb0: {  	[tilespmem:s0+$0x0] =	vst.msk $0x1, v3  }
0xb1: {  	v3 =	vsel vm4, $0x1, v1;
	[tilespmem:$0x90] =	vst v6  }
0xb2: {  	s0 =	sadd.s32 @!p1 $0xFAFF, s29;
	[tilespmem:$0xA0] =	vst v3  }
0xb3: {  	[spmem:s15] =	stream.linear.scatter @!p1 [tilespmem:s0], [sflag:$0x1], $0x1, $0x38;
	[tilespmem:$0x11A60] =	vst v63  }
0xb4: {  	s0 =	simm.s32 @!p1 $0x1  }
0xb5: {  	v3 =	vmctz.xlane @!p1 vm4;
	_ =	swait.ge @!p1 [sflag:s0], $0x1  }
0xb6: {  	(v2sf) =	vpush @!p1 v4, $0x0  }
0xb7: {  	(v2sf) =	vpush @!p1 v3, $0x0;
	_ =	sdelay $0xd  }
0xb8: {  	s2 =	spop @!p1 (v2sf)  }
0xb9: {  	s22 =	spop @!p1 (v2sf)  }
0xba: {  	p2 =	sne.s32 @!p1 s28, s2;
	p3 =	slt.s32 @!p1 s22, $0xF  }
0xbb: {  	[sflag:s0] =	ssyncset.done @!p1 $0x0;
	p2 =	por p2, p1;
	p3 =	por !p3, p1  }
0xbc: {  	[sflag:s0] =	ssyncadd.s32 @!p1 $0xFFFFFFFF;
	v3 =	vimm.s32 @!p2 $0xFFFFFFFF;
	s22 =	simm.s32 @p3 $0xF  }
0xbd: {  	[tilespmem:$0x80] =	vst @!p2 v3;
	s2 =	sadd.s32 @!p1 $0x90, s22  }
0xbe: {  	[spmem:s4] =	stream.linear.scatter @!p1 [tilespmem:s2], [sflag:$0x1], $0x1, $0x38;
	[tilespmem:$0x11A60] =	vst v63  }
0xbf: {  	_ =	swait.ge @!p1 [sflag:s0], $0x1  }
0xc0: {  	[sflag:s0] =	ssyncset.done @!p1 $0x0  }
0xc1: {  	s2 =	simm.s32 @!p1 $0x80;
	[sflag:s0] =	ssyncadd.s32 @!p1 $0xFFFFFFFF  }
0xc2: {  	[spmem:s13] =	stream.linear.scatter @!p1 [tilespmem:s2], [sflag:$0x1], $0x1, $0x38;
	[tilespmem:$0x11A60] =	vst v63  }
0xc3: {  	_ =	swait.ge @!p1 [sflag:s0], $0x1  }
0xc4: {  	[sflag:s0] =	ssyncset.done @!p1 $0x0  }
0xc5: {  	[sflag:s0] =	ssyncadd.s32 @!p1 $0xFFFFFFFF;
	(ifvalue) =	ssetifvalue $0xFFFFFFFF;
	v3 =	vld [tilespmem:s25+$0x10];
	_ =	sdelay $0x3  }
.Ltmp6:
0xc6: {  	_ = 	snop;
	(pc) =	sbr.rel .LBB2_9-.Ltmp6, $3  }
0xc7: {  	_ =	sdelay $0x1  }
0xc8: {  	(ifvalue) =	ssetifvalue $0xFFFFFFFF  }
0xc9: {  	[hbm4b:s1+s16] =	stream.indirect_vreg.scatter [tilespmem:s26], [sflag:$0x9], $0x1, v3, vm0, $0x4038;
	[tilespmem:$0x11A60] =	vst v63  }
.LBB2_10:
0xca: {  	_ =	sfence.sel $0x180000  }
0xcb: {  	s0 =	simm.s32 $0x7;
	[bflag:$0x0] =	sbarrier.arrive $0xFFFF  }
0xcc: {  	s26 =	simm.s32 $0x8;
	[sflag:s0] =	ssyncpa.u1 $0x1  }
0xcd: {  	s28 =	simm.s32 $0x9;
	[sflag:s26] =	ssyncpa.u1 $0x1  }
0xce: {  	[sflag:s28] =	ssyncpa.u1 $0x1  }
0xcf: {  	_ =	sfence.stream.spmem  }
0xd0: {  	s29 =	simm.s32 $0x3;
	[bflag:$0x0] =	sbarrier.arrive $0xFFFF  }
0xd1: {  	s30 =	simm.s32 $0x4;
	[sflag:s29] =	ssyncpa.u1 $0x1  }
0xd2: {  	s31 =	simm.s32 $0x3C;
	s2 =	stileid.u32;
	[sflag:s30] =	ssyncpa.u1 $0x1  }
0xd3: {  	p0 =	sne.s32 s2, $0x0;
	[sflag:s31] =	ssyncpa.u1 $0x1  }
0xd4: {  	s0 =	simm.s32 @p0 $0x1;
	_ =	sfence @p0  }
0xd5: {  	[sflag:s0] =	ssyncpa.u1 @p0 $0x1;
	s0 =	simm.s32 @p0 $0x2  }
0xd6: {  	[sflag:s0] =	ssyncpa.u1 @p0 $0x1  }
0xd7: {  	_ =	strace @p0 $0x90000047  }
0xd8: {  	[bflag:$0x2] =	sbarrier.arrive @p0 $0xFFFF  }
0xd9: {  	_ =	shalt @p0  }
.LBB2_11:
0xda: {  	_ =	sfence.stream.spmem;
	s0 =	simm.s32 $0x5  }
0xdb: {  	s2 =	simm.s32 $0x80;
	s3 =	simm.s32 $0xC0;
	[sflag:s0] =	ssyncpa.u1 $0x0  }
0xdc: {  	[tilespmem:s3], [sflag:$0x5] =	stream.linear.gather [spmem:s2], $0x20, $0x38;
	[tilespmem:$0x11A60] =	vst v63  }
0xdd: {  	s2 =	simm.s32 $0x0;
	s3 =	simm.s32 $0xE0  }
0xde: {  	[tilespmem:s3], [sflag:$0x5] =	stream.linear.gather [spmem:s2], $0x20, $0x38;
	[tilespmem:$0x11A60] =	vst v63  }
.Ltmp7:
0xdf: {  	_ = 	snop;
	(pc) =	sbr.rel .LBB2_12-.Ltmp7, $4  }
0xe0: {  	_ =	swait.ge [sflag:s0], $0x40  }
0xe1: {  	[sflag:s0] =	ssyncset.done $0x0  }
0xe2: {  	s31 =	simm.s32 $0x6;
	[sflag:s0] =	ssyncadd.s32 $0xFFFFFFC0  }
0xe3: {  	s4 =	simm.s32 $0x0;
	[sflag:s31] =	ssyncpa.u1 $0x0  }
.LBB2_17:
0xe4: {  	p0 =	sgt.u32 s5, $0x27FF  }
0xe5: {  	s0 =	sshrl.u32 @!p0 s5, $0x3  }
0xe6: {  	s5 =	sand.u32 @!p0 $0x7, s5;
	s6 =	simm.s32 @!p0 $0xB0;
	s0 =	sadd.s32 @!p0 s1, s0  }
0xe7: {  	[tilespmem:s6], [sflag:$0x6] =	stream.linear.gather @!p0 [hbm4b:s0+s5], $0x1, $0x38;
	[tilespmem:$0x11A60] =	vst v63  }
0xe8: {  	s0 =	simm.s32 @!p0 $0x6  }
0xe9: {  	_ =	swait.ge @!p0 [sflag:s0], $0x1  }
0xea: {  	[sflag:s0] =	ssyncset.done @!p0 $0x0  }
0xeb: {  	[sflag:s0] =	ssyncadd.s32 @!p0 $0xFFFFFFFF  }
0xec: {  	v2 =	vmov @!p0 s4;
	v1 =	vld.msk @!p0 [tilespmem:$0xB0], $0x1;
	_ =	sdelay $0x3  }
0xed: {  	s0 =	simm.s32 @!p0 $0xE0  }
0xee: {  	[tilespmem:v2+s0+$0x0], v1 =	vst.idx.ret.add.f32.msk @!p0 $0x1, v1  }
0xef: {  	[tilespmem:s2+$0xC0] =	vst.msk $0x1, v0  }
0xf0: {  	v0 =	vld.msk [tilespmem:s4+$0xE0], $0x1;
	_ =	sdelay $0x4  }
0xf1: {  	[tilespmem:s2+$0xE0] =	vst.msk $0x1, v0;
	s2 =	sadd.s32 $0x1, s2  }
.LBB2_19:
0xf2: {  	s4 =	sadd.s32 $0x1, s4  }
0xf3: {  	p0 =	sne.s32 s4, $0x20  }
.Ltmp8:
0xf4: {  	_ = 	snop;
	(pc) =	sbr.rel @!p0 .LBB2_20-.Ltmp8, $1  }
0xf5: {  	_ =	sdelay $0x3  }
.LBB2_12:
0xf6: {  	v0 =	vld.msk [tilespmem:s4+$0xC0], $0x1;
	_ =	sdelay $0x4  }
0xf7: {  	(v2sf) =	vpush v0, $0x0;
	_ =	sdelay $0xe  }
0xf8: {  	s5 =	spop (v2sf)  }
0xf9: {  	p0 =	seq.s32 s5, $0xFFFFFFFF  }
.Ltmp9:
0xfa: {  	_ = 	snop;
	(pc) =	sbr.rel @p0 .LBB2_19-.Ltmp9, $1  }
0xfb: {  	_ =	sdelay $0x3  }
0xfc: {  	p0 =	slt.s32 s2, $0x1  }
.Ltmp10:
0xfd: {  	_ = 	snop;
	(pc) =	sbr.rel @p0 .LBB2_17-.Ltmp10, $1  }
0xfe: {  	_ =	sdelay $0x3  }
0xff: {  	s0 =	simm.s32 $0xC0;
	p0 =	por $0x0, $0x0  }
0x100: {  	v1 =	vld.msk @!p0 [tilespmem:s0+$0x0], $0x1;
	_ =	sdelay $0x4  }
0x101: {  	(v2sf) =	vpush @!p0 v1, $0x0;
	_ =	sdelay $0xd  }
0x102: {  	p2 =	sne.s32 s2, $0x1  }
.Ltmp11:
0x103: {  	s6 =	spop @!p0 (v2sf);
	(pc) =	sbr.rel @!p2 .LBB2_16-.Ltmp11, $4  }
0x104: {  	p1 =	seq.s32 @!p0 s5, s6  }
0x105: {  	s6 =	simm.s32 $0x0;
	p1 =	por !p1, p0  }
0x106: {  	s8 =	simm.s32 $0xFFFFFFFF;
	s6 =	simm.s32 @p1 $0xFFFFFFFF  }
0x107: {  	s7 =	simm.s32 $0x1;
	s6 =	smov.u32 @p0 s8  }
.LBB2_15:
0x108: {  	s8 =	smov.u32 s6;
	p0 =	sne.s32 s6, $0xFFFFFFFF  }
0x109: {  	s0 =	sadd.s32 $0x1, s0;
	s6 =	smov.u32 s7;
	s7 =	sadd.s32 $0x1, s7  }
0x10a: {  	p1 =	sne.s32 s2, s7;
	v1 =	vld.msk @!p0 [tilespmem:s0+$0x0], $0x1;
	_ =	sdelay $0x4  }
0x10b: {  	(v2sf) =	vpush @!p0 v1, $0x0;
	_ =	sdelay $0xe  }
.Ltmp12:
0x10c: {  	s9 =	spop @!p0 (v2sf);
	(pc) =	sbr.rel @p1 .LBB2_15-.Ltmp12, $4  }
0x10d: {  	p2 =	seq.s32 @!p0 s5, s9  }
0x10e: {  	p2 =	por !p2, p0  }
0x10f: {  	s6 =	simm.s32 @p2 $0xFFFFFFFF  }
0x110: {  	s6 =	smov.u32 @p0 s8  }
.LBB2_16:
0x111: {  	p0 =	sne.s32 s6, $0xFFFFFFFF  }
.Ltmp13:
0x112: {  	_ = 	snop;
	(pc) =	sbr.rel @!p0 .LBB2_17-.Ltmp13, $1  }
0x113: {  	_ =	sdelay $0x3  }
0x114: {  	v0 =	vld.msk [tilespmem:s4+$0xE0], $0x1;
	v1 =	vmov s6  }
.Ltmp14:
0x115: {  	_ = 	snop;
	(pc) =	sbr.rel .LBB2_19-.Ltmp14, $2  }
0x116: {  	_ =	sdelay $0x2  }
0x117: {  	[tilespmem:v1+s3+$0x0], v0 =	vst.idx.ret.add.f32.msk $0x1, v0  }
.LBB2_20:
0x118: {  	p0 =	slt.s32 s2, $0x1  }
.Ltmp15:
0x119: {  	_ = 	snop;
	(pc) =	sbr.rel @p0 .LBB2_24-.Ltmp15, $3  }
0x11a: {  	_ =	sdelay $0x1  }
0x11b: {  	s0 =	simm.s32 $0x6  }
0x11c: {  	s3 =	simm.s32 $0x0;
	[sflag:s0] =	ssyncpa.u1 $0x1  }
0x11d: {  	s0 =	simm.s32 $0xC0  }
0x11e: {  	v0 =	vld.msk [tilespmem:s0+$0x0], $0x1;
	_ =	sdelay $0x4  }
0x11f: {  	(v2sf) =	vpush v0, $0x0;
	_ =	sdelay $0xe  }
0x120: {  	s2 =	sadd.s32 $0xFFFFFFFF, s2;
	s4 =	spop (v2sf)  }
0x121: {  	p1 =	sne.s32 s2, $0x0;
	p0 =	sgt.u32 s4, $0x27FF  }
.Ltmp16:
0x122: {  	s5 =	sshrl.u32 @!p0 s4, $0x3;
	(pc) =	sbr.rel @!p1 .LBB2_23-.Ltmp16, $4  }
0x123: {  	s0 =	simm.s32 $0xE0;
	s4 =	sand.u32 @!p0 $0x7, s4;
	s5 =	sadd.s32 @!p0 s1, s5  }
0x124: {  	[hbm4b:s5+s4] =	stream.linear.scatter @!p0 [tilespmem:s0], [sflag:$0x5], $0x1, $0x38;
	[tilespmem:$0x11A60] =	vst v63  }
0x125: {  	s5 =	simm.s32 $0x0  }
0x126: {  	s4 =	simm.s32 $0xC1;
	s5 =	simm.s32 @!p0 $0x4  }
.LBB2_22:
0x127: {  	v0 =	vld.msk [tilespmem:s4+$0x0], $0x1;
	s2 =	sadd.s32 $0xFFFFFFFF, s2;
	s3 =	sadd.s32 s3, s5  }
0x128: {  	p0 =	sne.s32 s2, $0x0;
	_ =	sdelay $0x3  }
0x129: {  	(v2sf) =	vpush v0, $0x0;
	_ =	sdelay $0xe  }
.Ltmp17:
0x12a: {  	s6 =	spop (v2sf);
	(pc) =	sbr.rel @p0 .LBB2_22-.Ltmp17, $4  }
0x12b: {  	s5 =	simm.s32 $0x0;
	p1 =	sgt.u32 s6, $0x27FF  }
0x12c: {  	s0 =	sadd.s32 $0x1, s0;
	s5 =	simm.s32 @!p1 $0x4;
	s7 =	sshrl.u32 @!p1 s6, $0x3  }
0x12d: {  	s4 =	sadd.s32 $0x1, s4;
	s6 =	sand.u32 @!p1 $0x7, s6;
	s7 =	sadd.s32 @!p1 s1, s7  }
0x12e: {  	[hbm4b:s7+s6] =	stream.linear.scatter @!p1 [tilespmem:s0], [sflag:$0x5], $0x1, $0x38;
	[tilespmem:$0x11A60] =	vst v63  }
.LBB2_23:
0x12f: {  	s0 =	sadd.s32 s3, s5  }
0x130: {  	s3 =	sshrl.u32 s0, $0x2  }
.LBB2_24:
0x131: {  	s0 =	simm.s32 $0x5  }
0x132: {  	_ =	swait.ge [sflag:s0], s3  }
0x133: {  	s1 =	ssub.s32 $0x0, s3;
	[sflag:s0] =	ssyncset.done $0x0  }
0x134: {  	[sflag:s0] =	ssyncadd.s32 s1  }
0x135: {  	[sflag:s0] =	ssyncpa.u1 $0x1  }
0x136: {  	s29 =	simm.s32 $0x1;
	_ =	sfence  }
0x137: {  	s30 =	simm.s32 $0x2;
	[sflag:s29] =	ssyncpa.u1 $0x1  }
0x138: {  	[sflag:s30] =	ssyncpa.u1 $0x1  }
0x139: {  	_ =	strace $0x90000047  }
0x13a: {  	[bflag:$0x2] =	sbarrier.arrive $0xFFFF  }
0x13b: {  	s31 =	rddreg [dreg:$0x1]  }
0x13c: {  	s0 =	sadd.s32 $0x100000, s31  }
0x13d: {  	[sflag:s0] =	ssyncadd.tile.s32 $0x1;
	_ =	shalt  }
.Lfunc_end2:
_tile_overlayer_lowered:
.L_overlay_start_2:
0x13e: {  	(tag) =	ssettag $0x2  }
0x13f: {  	s0 =	rddreg [dreg:$0x0];
	s2 =	stileid.u32  }
0x140: {  	s1 =	rddreg [dreg:$0x1];
	p0 =	sne.s32 s2, $0x0  }
0x141: {  	s3 =	rddreg [dreg:$0x2];
	[bflag:$0x3] =	sbarrier.arrive $0xFFFF;
	s2 =	simm.s32 @!p0 $0x1C01  }
0x142: {  	[timem:s3], [sflag:s2] =	dma.local @!p0 [hbm:s0], s1  }
0x143: {  	s0 =	simm.s32 @!p0 $0x1  }
0x144: {  	_ =	swait.ge @!p0 [sflag:s0], s1  }
0x145: {  	s1 =	ssub.s32 @!p0 $0x0, s1;
	[sflag:s0] =	ssyncset.done @!p0 $0x0  }
0x146: {  	[sflag:s0] =	ssyncadd.s32 @!p0 s1  }
0x147: {  	[bflag:$0x3] =	sbarrier.arrive $0xFFFF  }
0x148: {  	_ =	shalt  }

</sc_bundles>
